<compile_context>
chip_gen: v7x
topology: tpu7x:2x2x1
jax: 0.10.2.dev20260603
libtpu: 0.0.44.dev20260713+nightly
codegen_flags: <defaults>
</compile_context>

<pallas_src>
import jax
import jax.numpy as jnp
from jax import lax
from jax.experimental import pallas as pl
from jax.experimental.pallas import tpu as pltpu
from jax.experimental.pallas import tpu_sc as plsc

B = 8192
W = 4096
C = 4096
L = 16

NC = 2
NS = 16
NW = NC * NS

G = 4
NBUF = 2
ROWS_PER_W = B // NW
STEPS = ROWS_PER_W // G
CCHUNKS = C // L


def _body(inp_hbm, wv_hbm, idx_hbm, out_hbm, idx_v, wv_v,
          in_v0, in_v1, out_v0, out_v1,
          sem_in0, sem_in1, sem_cp, sem_go0, sem_go1):
    in_bufs = (in_v0, in_v1)
    out_bufs = (out_v0, out_v1)
    sem_ins = (sem_in0, sem_in1)
    sem_gos = (sem_go0, sem_go1)

    cid = lax.axis_index("c")
    sid = lax.axis_index("s")
    wid = sid * NC + cid
    base = wid * ROWS_PER_W

    pltpu.sync_copy(idx_hbm, idx_v)
    pltpu.sync_copy(wv_hbm, wv_v)

    def fire_in(t, b):
        row0 = base + t * G
        for g in range(G):
            pltpu.async_copy(
                inp_hbm.at[row0 + g], in_bufs[b].at[pl.ds(g * W, W)], sem_ins[b]
            )

    def wait_in(t, b):
        row0 = base + t * G
        for g in range(G):
            pltpu.make_async_copy(
                inp_hbm.at[row0 + g], in_bufs[b].at[pl.ds(g * W, W)], sem_ins[b]
            ).wait()

    def gout_copy(t, b):
        row0 = base + t * G
        return pltpu.make_async_copy(
            out_bufs[b], out_hbm.at[pl.ds(row0, G), pl.ds(W, C)], sem_gos[b]
        )

    for b in range(NBUF):
        fire_in(b, b)

    @pl.loop(0, STEPS, step=NBUF)
    def _step(t0):
        for b in range(NBUF):
            t = t0 + b
            row0 = base + t * G
            inb = in_bufs[b]
            outb = out_bufs[b]

            wait_in(t, b)

            cps = [
                pltpu.async_copy(
                    inb.at[pl.ds(g * W, W)], out_hbm.at[row0 + g, pl.ds(0, W)], sem_cp
                )
                for g in range(G)
            ]

            @pl.when(t >= NBUF)
            def _():
                gout_copy(t, b).wait()

            @plsc.parallel_loop(0, CCHUNKS, unroll=8)
            def _chunk(j):
                sl = pl.ds(j * L, L)
                ids = idx_v[sl]
                w = wv_v[sl]
                for g in range(G):
                    vals = plsc.load_gather(inb.at[pl.ds(g * W, W)], [ids])
                    outb[g, sl] = vals * w

            gout_copy(t, b).start()

            for cp in cps:
                cp.wait()

            @pl.when(t + NBUF < STEPS)
            def _():
                fire_in(t + NBUF, b)

    for b in range(NBUF):
        gout_copy(STEPS - NBUF + b, b).wait()


@jax.jit
def kernel(input, weight_values, parent_idx):
    mesh = plsc.VectorSubcoreMesh(core_axis_name="c", subcore_axis_name="s")
    run = pl.kernel(
        _body,
        out_type=jax.ShapeDtypeStruct((B, W + C), jnp.float32),
        mesh=mesh,
        scratch_types=[
            pltpu.VMEM((C,), jnp.int32),
            pltpu.VMEM((C,), jnp.float32),
            pltpu.VMEM((G * W,), jnp.float32),
            pltpu.VMEM((G * W,), jnp.float32),
            pltpu.VMEM((G, C), jnp.float32),
            pltpu.VMEM((G, C), jnp.float32),
            pltpu.SemaphoreType.DMA,
            pltpu.SemaphoreType.DMA,
            pltpu.SemaphoreType.DMA,
            pltpu.SemaphoreType.DMA,
            pltpu.SemaphoreType.DMA,
        ],
        compiler_params=pltpu.CompilerParams(needs_layout_passes=False),
    )
    return run(input, weight_values, parent_idx.astype(jnp.int32))

# --- scband reference (transcript-rebuilt; emitter-appended) ---
"""Pipeline reference for scband-embed-linear-75720273428632 (READ-ONLY COPY).

The authoritative reference and input builder live on the scoring server;
editing this copy changes nothing except your own understanding.
"""

import jax, jax.numpy as jnp
import numpy as np

# EmbedLinear: sparse weight of shape [n_children, weight_size] with exactly one
# nonzero per row (built via replace(child, parent)). forward computes
# out = (W_sparse @ input.T).T and concatenates [input, out] along dim 1.
# Since each sparse row c has a single nonzero weight_values[c] at column
# parent_idx[c], the spmm is exactly a column-gather times a per-row scale:
#   out[b, c] = weight_values[c] * input[b, parent_idx[c]]

B = 8192
WEIGHT_SIZE = 4096
N_CHILDREN = 4096

def setup_inputs(seed: int = 0) -> dict:
    key = jax.random.key(seed)
    k1, k2, k3 = jax.random.split(key, 3)
    inp = jax.random.normal(k1, (B, WEIGHT_SIZE), dtype=jnp.float32)
    # learned sparse values (torch.rand in replace())
    weight_values = jax.random.uniform(k2, (N_CHILDREN,), dtype=jnp.float32)
    # parent column index for each child row
    parent_idx = jax.random.randint(k3, (N_CHILDREN,), 0, WEIGHT_SIZE)
    return {"input": inp, "weight_values": weight_values, "parent_idx": parent_idx}

def reference(input, weight_values, parent_idx):
    # sparse mm: (W @ input.T).T where W[c, parent_idx[c]] = weight_values[c]
    gathered = jnp.take(input, parent_idx, axis=1)          # [B, N_CHILDREN] gather
    output = gathered * weight_values[None, :]              # per-row scale
    return jnp.concatenate([input, output], axis=1)         # [B, WEIGHT_SIZE + N_CHILDREN]

if __name__ == "__main__":
    import jax
    _d = setup_inputs()
    print(jax.jit(kernel)(*tuple(_d.values())))

</pallas_src>

<mosaic_0001>
#map = affine_map<(d0, d1) -> (0, 0)>
#map1 = affine_map<(d0, d1) -> (0)>
module attributes {stable_mosaic.version = 14 : i64} {
  func.func @_body(%arg0: i32, %arg1: i32, %arg2: memref<8192x4096xf32, #tpu.memory_space<hbm>>, %arg3: memref<4096xf32, #tpu.memory_space<hbm>>, %arg4: memref<4096xi32, #tpu.memory_space<hbm>>, %arg5: memref<8192x8192xf32, #tpu.memory_space<hbm>>, %arg6: memref<4096xi32, #tpu.memory_space<vmem>>, %arg7: memref<4096xf32, #tpu.memory_space<vmem>>, %arg8: memref<16384xf32, #tpu.memory_space<vmem>>, %arg9: memref<16384xf32, #tpu.memory_space<vmem>>, %arg10: memref<4x4096xf32, #tpu.memory_space<vmem>>, %arg11: memref<4x4096xf32, #tpu.memory_space<vmem>>, %arg12: memref<!tpu.dma_semaphore, #tpu.memory_space<semaphore_mem>>, %arg13: memref<!tpu.dma_semaphore, #tpu.memory_space<semaphore_mem>>, %arg14: memref<!tpu.dma_semaphore, #tpu.memory_space<semaphore_mem>>, %arg15: memref<!tpu.dma_semaphore, #tpu.memory_space<semaphore_mem>>, %arg16: memref<!tpu.dma_semaphore, #tpu.memory_space<semaphore_mem>>) attributes {dimension_semantics = [#tpu.dimension_semantics<core_parallel>, #tpu.dimension_semantics<subcore_parallel>], iteration_bounds = array<i64: 2, 16>, scalar_prefetch = 0 : i64, scratch_operands = 11 : i64, tpu.core_type = #tpu.core_type<sc_vector_subcore>, window_params = [{transform_indices = #map}, {transform_indices = #map1}, {transform_indices = #map1}, {transform_indices = #map}]} {
    %mul3A = arith.constant 2 : i32
    %mul3A_0 = arith.muli %arg1, %mul3A : i32
    %add3A = arith.addi %mul3A_0, %arg0 : i32
    %mul3A_1 = arith.constant 256 : i32
    %mul3A_2 = arith.muli %add3A, %mul3A_1 : i32
    "tpu.region"() ({
      %run_scoped3A = tpu.sem_alloc : memref<!tpu.dma_semaphore, #tpu.memory_space<semaphore_mem>>
      tpu.enqueue_dma source(%arg4 : memref<4096xi32, #tpu.memory_space<hbm>>) target(%arg6 : memref<4096xi32, #tpu.memory_space<vmem>>) target_semaphore(%run_scoped3A : memref<!tpu.dma_semaphore, #tpu.memory_space<semaphore_mem>>)
      tpu.wait_dma2 semaphore(%run_scoped3A : memref<!tpu.dma_semaphore, #tpu.memory_space<semaphore_mem>>) src(%arg4 : memref<4096xi32, #tpu.memory_space<hbm>>) dst(%arg6 : memref<4096xi32, #tpu.memory_space<vmem>>)
      tpu.yield
    }) : () -> ()
    "tpu.region"() ({
      %run_scoped3A = tpu.sem_alloc : memref<!tpu.dma_semaphore, #tpu.memory_space<semaphore_mem>>
      tpu.enqueue_dma source(%arg3 : memref<4096xf32, #tpu.memory_space<hbm>>) target(%arg7 : memref<4096xf32, #tpu.memory_space<vmem>>) target_semaphore(%run_scoped3A : memref<!tpu.dma_semaphore, #tpu.memory_space<semaphore_mem>>)
      tpu.wait_dma2 semaphore(%run_scoped3A : memref<!tpu.dma_semaphore, #tpu.memory_space<semaphore_mem>>) src(%arg3 : memref<4096xf32, #tpu.memory_space<hbm>>) dst(%arg7 : memref<4096xf32, #tpu.memory_space<vmem>>)
      tpu.yield
    }) : () -> ()
    %add3A_3 = arith.constant 0 : i32
    %add3A_4 = arith.addi %mul3A_2, %add3A_3 : i32
    %add3A_5 = arith.constant 0 : i32
    %add3A_6 = arith.addi %add3A_4, %add3A_5 : i32
    %dma_start3A = arith.constant 0 : i32
    %dma_start3A_7 = tpu.memref_slice %arg8[%dma_start3A] : memref<16384xf32, #tpu.memory_space<vmem>> -> memref<4096xf32, #tpu.memory_space<vmem>>
    %dma_start3A_8 = arith.constant 0 : i32
    %dma_start3A_9 = tpu.memref_slice %arg2[%add3A_6, %dma_start3A_8] : memref<8192x4096xf32, #tpu.memory_space<hbm>> -> memref<1x4096xf32, #tpu.memory_space<hbm>>
    %dma_start3A_10 = tpu.memref_squeeze %dma_start3A_9 : memref<1x4096xf32, #tpu.memory_space<hbm>> -> memref<4096xf32, #tpu.memory_space<hbm>>
    %dma_start3A_11 = arith.constant 0 : i32
    %dma_start3A_12 = tpu.memref_slice %arg8[%dma_start3A_11] : memref<16384xf32, #tpu.memory_space<vmem>> -> memref<4096xf32, #tpu.memory_space<vmem>>
    %dma_start3A_13 = arith.constant 0 : i32
    %dma_start3A_14 = tpu.memref_slice %arg2[%add3A_6, %dma_start3A_13] : memref<8192x4096xf32, #tpu.memory_space<hbm>> -> memref<1x4096xf32, #tpu.memory_space<hbm>>
    %dma_start3A_15 = tpu.memref_squeeze %dma_start3A_14 : memref<1x4096xf32, #tpu.memory_space<hbm>> -> memref<4096xf32, #tpu.memory_space<hbm>>
    tpu.enqueue_dma source(%dma_start3A_15 : memref<4096xf32, #tpu.memory_space<hbm>>) target(%dma_start3A_12 : memref<4096xf32, #tpu.memory_space<vmem>>) target_semaphore(%arg12 : memref<!tpu.dma_semaphore, #tpu.memory_space<semaphore_mem>>)
    %add3A_16 = arith.constant 1 : i32
    %add3A_17 = arith.addi %add3A_4, %add3A_16 : i32
    %dma_start3A_18 = arith.constant 4096 : i32
    %dma_start3A_19 = tpu.memref_slice %arg8[%dma_start3A_18] : memref<16384xf32, #tpu.memory_space<vmem>> -> memref<4096xf32, #tpu.memory_space<vmem>>
    %dma_start3A_20 = arith.constant 0 : i32
    %dma_start3A_21 = tpu.memref_slice %arg2[%add3A_17, %dma_start3A_20] : memref<8192x4096xf32, #tpu.memory_space<hbm>> -> memref<1x4096xf32, #tpu.memory_space<hbm>>
    %dma_start3A_22 = tpu.memref_squeeze %dma_start3A_21 : memref<1x4096xf32, #tpu.memory_space<hbm>> -> memref<4096xf32, #tpu.memory_space<hbm>>
    %dma_start3A_23 = arith.constant 4096 : i32
    %dma_start3A_24 = tpu.memref_slice %arg8[%dma_start3A_23] : memref<16384xf32, #tpu.memory_space<vmem>> -> memref<4096xf32, #tpu.memory_space<vmem>>
    %dma_start3A_25 = arith.constant 0 : i32
    %dma_start3A_26 = tpu.memref_slice %arg2[%add3A_17, %dma_start3A_25] : memref<8192x4096xf32, #tpu.memory_space<hbm>> -> memref<1x4096xf32, #tpu.memory_space<hbm>>
    %dma_start3A_27 = tpu.memref_squeeze %dma_start3A_26 : memref<1x4096xf32, #tpu.memory_space<hbm>> -> memref<4096xf32, #tpu.memory_space<hbm>>
    tpu.enqueue_dma source(%dma_start3A_27 : memref<4096xf32, #tpu.memory_space<hbm>>) target(%dma_start3A_24 : memref<4096xf32, #tpu.memory_space<vmem>>) target_semaphore(%arg12 : memref<!tpu.dma_semaphore, #tpu.memory_space<semaphore_mem>>)
    %add3A_28 = arith.constant 2 : i32
    %add3A_29 = arith.addi %add3A_4, %add3A_28 : i32
    %dma_start3A_30 = arith.constant 8192 : i32
    %dma_start3A_31 = tpu.memref_slice %arg8[%dma_start3A_30] : memref<16384xf32, #tpu.memory_space<vmem>> -> memref<4096xf32, #tpu.memory_space<vmem>>
    %dma_start3A_32 = arith.constant 0 : i32
    %dma_start3A_33 = tpu.memref_slice %arg2[%add3A_29, %dma_start3A_32] : memref<8192x4096xf32, #tpu.memory_space<hbm>> -> memref<1x4096xf32, #tpu.memory_space<hbm>>
    %dma_start3A_34 = tpu.memref_squeeze %dma_start3A_33 : memref<1x4096xf32, #tpu.memory_space<hbm>> -> memref<4096xf32, #tpu.memory_space<hbm>>
    %dma_start3A_35 = arith.constant 8192 : i32
    %dma_start3A_36 = tpu.memref_slice %arg8[%dma_start3A_35] : memref<16384xf32, #tpu.memory_space<vmem>> -> memref<4096xf32, #tpu.memory_space<vmem>>
    %dma_start3A_37 = arith.constant 0 : i32
    %dma_start3A_38 = tpu.memref_slice %arg2[%add3A_29, %dma_start3A_37] : memref<8192x4096xf32, #tpu.memory_space<hbm>> -> memref<1x4096xf32, #tpu.memory_space<hbm>>
    %dma_start3A_39 = tpu.memref_squeeze %dma_start3A_38 : memref<1x4096xf32, #tpu.memory_space<hbm>> -> memref<4096xf32, #tpu.memory_space<hbm>>
    tpu.enqueue_dma source(%dma_start3A_39 : memref<4096xf32, #tpu.memory_space<hbm>>) target(%dma_start3A_36 : memref<4096xf32, #tpu.memory_space<vmem>>) target_semaphore(%arg12 : memref<!tpu.dma_semaphore, #tpu.memory_space<semaphore_mem>>)
    %add3A_40 = arith.constant 3 : i32
    %add3A_41 = arith.addi %add3A_4, %add3A_40 : i32
    %dma_start3A_42 = arith.constant 12288 : i32
    %dma_start3A_43 = tpu.memref_slice %arg8[%dma_start3A_42] : memref<16384xf32, #tpu.memory_space<vmem>> -> memref<4096xf32, #tpu.memory_space<vmem>>
    %dma_start3A_44 = arith.constant 0 : i32
    %dma_start3A_45 = tpu.memref_slice %arg2[%add3A_41, %dma_start3A_44] : memref<8192x4096xf32, #tpu.memory_space<hbm>> -> memref<1x4096xf32, #tpu.memory_space<hbm>>
    %dma_start3A_46 = tpu.memref_squeeze %dma_start3A_45 : memref<1x4096xf32, #tpu.memory_space<hbm>> -> memref<4096xf32, #tpu.memory_space<hbm>>
    %dma_start3A_47 = arith.constant 12288 : i32
    %dma_start3A_48 = tpu.memref_slice %arg8[%dma_start3A_47] : memref<16384xf32, #tpu.memory_space<vmem>> -> memref<4096xf32, #tpu.memory_space<vmem>>
    %dma_start3A_49 = arith.constant 0 : i32
    %dma_start3A_50 = tpu.memref_slice %arg2[%add3A_41, %dma_start3A_49] : memref<8192x4096xf32, #tpu.memory_space<hbm>> -> memref<1x4096xf32, #tpu.memory_space<hbm>>
    %dma_start3A_51 = tpu.memref_squeeze %dma_start3A_50 : memref<1x4096xf32, #tpu.memory_space<hbm>> -> memref<4096xf32, #tpu.memory_space<hbm>>
    tpu.enqueue_dma source(%dma_start3A_51 : memref<4096xf32, #tpu.memory_space<hbm>>) target(%dma_start3A_48 : memref<4096xf32, #tpu.memory_space<vmem>>) target_semaphore(%arg12 : memref<!tpu.dma_semaphore, #tpu.memory_space<semaphore_mem>>)
    %add3A_52 = arith.constant 4 : i32
    %add3A_53 = arith.addi %mul3A_2, %add3A_52 : i32
    %add3A_54 = arith.constant 0 : i32
    %add3A_55 = arith.addi %add3A_53, %add3A_54 : i32
    %dma_start3A_56 = arith.constant 0 : i32
    %dma_start3A_57 = tpu.memref_slice %arg9[%dma_start3A_56] : memref<16384xf32, #tpu.memory_space<vmem>> -> memref<4096xf32, #tpu.memory_space<vmem>>
    %dma_start3A_58 = arith.constant 0 : i32
    %dma_start3A_59 = tpu.memref_slice %arg2[%add3A_55, %dma_start3A_58] : memref<8192x4096xf32, #tpu.memory_space<hbm>> -> memref<1x4096xf32, #tpu.memory_space<hbm>>
    %dma_start3A_60 = tpu.memref_squeeze %dma_start3A_59 : memref<1x4096xf32, #tpu.memory_space<hbm>> -> memref<4096xf32, #tpu.memory_space<hbm>>
    %dma_start3A_61 = arith.constant 0 : i32
    %dma_start3A_62 = tpu.memref_slice %arg9[%dma_start3A_61] : memref<16384xf32, #tpu.memory_space<vmem>> -> memref<4096xf32, #tpu.memory_space<vmem>>
    %dma_start3A_63 = arith.constant 0 : i32
    %dma_start3A_64 = tpu.memref_slice %arg2[%add3A_55, %dma_start3A_63] : memref<8192x4096xf32, #tpu.memory_space<hbm>> -> memref<1x4096xf32, #tpu.memory_space<hbm>>
    %dma_start3A_65 = tpu.memref_squeeze %dma_start3A_64 : memref<1x4096xf32, #tpu.memory_space<hbm>> -> memref<4096xf32, #tpu.memory_space<hbm>>
    tpu.enqueue_dma source(%dma_start3A_65 : memref<4096xf32, #tpu.memory_space<hbm>>) target(%dma_start3A_62 : memref<4096xf32, #tpu.memory_space<vmem>>) target_semaphore(%arg13 : memref<!tpu.dma_semaphore, #tpu.memory_space<semaphore_mem>>)
    %add3A_66 = arith.constant 1 : i32
    %add3A_67 = arith.addi %add3A_53, %add3A_66 : i32
    %dma_start3A_68 = arith.constant 4096 : i32
    %dma_start3A_69 = tpu.memref_slice %arg9[%dma_start3A_68] : memref<16384xf32, #tpu.memory_space<vmem>> -> memref<4096xf32, #tpu.memory_space<vmem>>
    %dma_start3A_70 = arith.constant 0 : i32
    %dma_start3A_71 = tpu.memref_slice %arg2[%add3A_67, %dma_start3A_70] : memref<8192x4096xf32, #tpu.memory_space<hbm>> -> memref<1x4096xf32, #tpu.memory_space<hbm>>
    %dma_start3A_72 = tpu.memref_squeeze %dma_start3A_71 : memref<1x4096xf32, #tpu.memory_space<hbm>> -> memref<4096xf32, #tpu.memory_space<hbm>>
    %dma_start3A_73 = arith.constant 4096 : i32
    %dma_start3A_74 = tpu.memref_slice %arg9[%dma_start3A_73] : memref<16384xf32, #tpu.memory_space<vmem>> -> memref<4096xf32, #tpu.memory_space<vmem>>
    %dma_start3A_75 = arith.constant 0 : i32
    %dma_start3A_76 = tpu.memref_slice %arg2[%add3A_67, %dma_start3A_75] : memref<8192x4096xf32, #tpu.memory_space<hbm>> -> memref<1x4096xf32, #tpu.memory_space<hbm>>
    %dma_start3A_77 = tpu.memref_squeeze %dma_start3A_76 : memref<1x4096xf32, #tpu.memory_space<hbm>> -> memref<4096xf32, #tpu.memory_space<hbm>>
    tpu.enqueue_dma source(%dma_start3A_77 : memref<4096xf32, #tpu.memory_space<hbm>>) target(%dma_start3A_74 : memref<4096xf32, #tpu.memory_space<vmem>>) target_semaphore(%arg13 : memref<!tpu.dma_semaphore, #tpu.memory_space<semaphore_mem>>)
    %add3A_78 = arith.constant 2 : i32
    %add3A_79 = arith.addi %add3A_53, %add3A_78 : i32
    %dma_start3A_80 = arith.constant 8192 : i32
    %dma_start3A_81 = tpu.memref_slice %arg9[%dma_start3A_80] : memref<16384xf32, #tpu.memory_space<vmem>> -> memref<4096xf32, #tpu.memory_space<vmem>>
    %dma_start3A_82 = arith.constant 0 : i32
    %dma_start3A_83 = tpu.memref_slice %arg2[%add3A_79, %dma_start3A_82] : memref<8192x4096xf32, #tpu.memory_space<hbm>> -> memref<1x4096xf32, #tpu.memory_space<hbm>>
    %dma_start3A_84 = tpu.memref_squeeze %dma_start3A_83 : memref<1x4096xf32, #tpu.memory_space<hbm>> -> memref<4096xf32, #tpu.memory_space<hbm>>
    %dma_start3A_85 = arith.constant 8192 : i32
    %dma_start3A_86 = tpu.memref_slice %arg9[%dma_start3A_85] : memref<16384xf32, #tpu.memory_space<vmem>> -> memref<4096xf32, #tpu.memory_space<vmem>>
    %dma_start3A_87 = arith.constant 0 : i32
    %dma_start3A_88 = tpu.memref_slice %arg2[%add3A_79, %dma_start3A_87] : memref<8192x4096xf32, #tpu.memory_space<hbm>> -> memref<1x4096xf32, #tpu.memory_space<hbm>>
    %dma_start3A_89 = tpu.memref_squeeze %dma_start3A_88 : memref<1x4096xf32, #tpu.memory_space<hbm>> -> memref<4096xf32, #tpu.memory_space<hbm>>
    tpu.enqueue_dma source(%dma_start3A_89 : memref<4096xf32, #tpu.memory_space<hbm>>) target(%dma_start3A_86 : memref<4096xf32, #tpu.memory_space<vmem>>) target_semaphore(%arg13 : memref<!tpu.dma_semaphore, #tpu.memory_space<semaphore_mem>>)
    %add3A_90 = arith.constant 3 : i32
    %add3A_91 = arith.addi %add3A_53, %add3A_90 : i32
    %dma_start3A_92 = arith.constant 12288 : i32
    %dma_start3A_93 = tpu.memref_slice %arg9[%dma_start3A_92] : memref<16384xf32, #tpu.memory_space<vmem>> -> memref<4096xf32, #tpu.memory_space<vmem>>
    %dma_start3A_94 = arith.constant 0 : i32
    %dma_start3A_95 = tpu.memref_slice %arg2[%add3A_91, %dma_start3A_94] : memref<8192x4096xf32, #tpu.memory_space<hbm>> -> memref<1x4096xf32, #tpu.memory_space<hbm>>
    %dma_start3A_96 = tpu.memref_squeeze %dma_start3A_95 : memref<1x4096xf32, #tpu.memory_space<hbm>> -> memref<4096xf32, #tpu.memory_space<hbm>>
    %dma_start3A_97 = arith.constant 12288 : i32
    %dma_start3A_98 = tpu.memref_slice %arg9[%dma_start3A_97] : memref<16384xf32, #tpu.memory_space<vmem>> -> memref<4096xf32, #tpu.memory_space<vmem>>
    %dma_start3A_99 = arith.constant 0 : i32
    %dma_start3A_100 = tpu.memref_slice %arg2[%add3A_91, %dma_start3A_99] : memref<8192x4096xf32, #tpu.memory_space<hbm>> -> memref<1x4096xf32, #tpu.memory_space<hbm>>
    %dma_start3A_101 = tpu.memref_squeeze %dma_start3A_100 : memref<1x4096xf32, #tpu.memory_space<hbm>> -> memref<4096xf32, #tpu.memory_space<hbm>>
    tpu.enqueue_dma source(%dma_start3A_101 : memref<4096xf32, #tpu.memory_space<hbm>>) target(%dma_start3A_98 : memref<4096xf32, #tpu.memory_space<vmem>>) target_semaphore(%arg13 : memref<!tpu.dma_semaphore, #tpu.memory_space<semaphore_mem>>)
    %scan3A = arith.constant 0 : i32
    %scan3A_102 = arith.constant 32 : i32
    %scan3A_103 = arith.addi %scan3A, %scan3A_102 : i32
    %scan3A_104 = arith.constant 1 : i32
    scf.for %scan3A_117 = %scan3A to %scan3A_103 step %scan3A_104  : i32 {
      %mul3A_118 = arith.constant 2 : i32
      %mul3A_119 = arith.muli %scan3A_117, %mul3A_118 : i32
      %add3A_120 = arith.constant 0 : i32
      %add3A_121 = arith.addi %add3A_120, %mul3A_119 : i32
      %add3A_122 = arith.constant 0 : i32
      %add3A_123 = arith.addi %add3A_121, %add3A_122 : i32
      %mul3A_124 = arith.constant 4 : i32
      %mul3A_125 = arith.muli %add3A_123, %mul3A_124 : i32
      %add3A_126 = arith.addi %mul3A_2, %mul3A_125 : i32
      %mul3A_127 = arith.constant 4 : i32
      %mul3A_128 = arith.muli %add3A_123, %mul3A_127 : i32
      %add3A_129 = arith.addi %mul3A_2, %mul3A_128 : i32
      %add3A_130 = arith.constant 0 : i32
      %add3A_131 = arith.addi %add3A_129, %add3A_130 : i32
      %dma_wait3A_132 = arith.constant 0 : i32
      %dma_wait3A_133 = tpu.memref_slice %arg8[%dma_wait3A_132] : memref<16384xf32, #tpu.memory_space<vmem>> -> memref<4096xf32, #tpu.memory_space<vmem>>
      %dma_wait3A_134 = arith.constant 0 : i32
      %dma_wait3A_135 = tpu.memref_slice %arg2[%add3A_131, %dma_wait3A_134] : memref<8192x4096xf32, #tpu.memory_space<hbm>> -> memref<1x4096xf32, #tpu.memory_space<hbm>>
      %dma_wait3A_136 = tpu.memref_squeeze %dma_wait3A_135 : memref<1x4096xf32, #tpu.memory_space<hbm>> -> memref<4096xf32, #tpu.memory_space<hbm>>
      %dma_wait3A_137 = arith.constant 0 : i32
      %dma_wait3A_138 = tpu.memref_slice %arg8[%dma_wait3A_137] : memref<16384xf32, #tpu.memory_space<vmem>> -> memref<4096xf32, #tpu.memory_space<vmem>>
      %dma_wait3A_139 = arith.constant 0 : i32
      %dma_wait3A_140 = tpu.memref_slice %arg2[%add3A_131, %dma_wait3A_139] : memref<8192x4096xf32, #tpu.memory_space<hbm>> -> memref<1x4096xf32, #tpu.memory_space<hbm>>
      %dma_wait3A_141 = tpu.memref_squeeze %dma_wait3A_140 : memref<1x4096xf32, #tpu.memory_space<hbm>> -> memref<4096xf32, #tpu.memory_space<hbm>>
      tpu.wait_dma2 semaphore(%arg12 : memref<!tpu.dma_semaphore, #tpu.memory_space<semaphore_mem>>) src(%dma_wait3A_141 : memref<4096xf32, #tpu.memory_space<hbm>>) dst(%dma_wait3A_138 : memref<4096xf32, #tpu.memory_space<vmem>>)
      %add3A_142 = arith.constant 1 : i32
      %add3A_143 = arith.addi %add3A_129, %add3A_142 : i32
      %dma_wait3A_144 = arith.constant 4096 : i32
      %dma_wait3A_145 = tpu.memref_slice %arg8[%dma_wait3A_144] : memref<16384xf32, #tpu.memory_space<vmem>> -> memref<4096xf32, #tpu.memory_space<vmem>>
      %dma_wait3A_146 = arith.constant 0 : i32
      %dma_wait3A_147 = tpu.memref_slice %arg2[%add3A_143, %dma_wait3A_146] : memref<8192x4096xf32, #tpu.memory_space<hbm>> -> memref<1x4096xf32, #tpu.memory_space<hbm>>
      %dma_wait3A_148 = tpu.memref_squeeze %dma_wait3A_147 : memref<1x4096xf32, #tpu.memory_space<hbm>> -> memref<4096xf32, #tpu.memory_space<hbm>>
      %dma_wait3A_149 = arith.constant 4096 : i32
      %dma_wait3A_150 = tpu.memref_slice %arg8[%dma_wait3A_149] : memref<16384xf32, #tpu.memory_space<vmem>> -> memref<4096xf32, #tpu.memory_space<vmem>>
      %dma_wait3A_151 = arith.constant 0 : i32
      %dma_wait3A_152 = tpu.memref_slice %arg2[%add3A_143, %dma_wait3A_151] : memref<8192x4096xf32, #tpu.memory_space<hbm>> -> memref<1x4096xf32, #tpu.memory_space<hbm>>
      %dma_wait3A_153 = tpu.memref_squeeze %dma_wait3A_152 : memref<1x4096xf32, #tpu.memory_space<hbm>> -> memref<4096xf32, #tpu.memory_space<hbm>>
      tpu.wait_dma2 semaphore(%arg12 : memref<!tpu.dma_semaphore, #tpu.memory_space<semaphore_mem>>) src(%dma_wait3A_153 : memref<4096xf32, #tpu.memory_space<hbm>>) dst(%dma_wait3A_150 : memref<4096xf32, #tpu.memory_space<vmem>>)
      %add3A_154 = arith.constant 2 : i32
      %add3A_155 = arith.addi %add3A_129, %add3A_154 : i32
      %dma_wait3A_156 = arith.constant 8192 : i32
      %dma_wait3A_157 = tpu.memref_slice %arg8[%dma_wait3A_156] : memref<16384xf32, #tpu.memory_space<vmem>> -> memref<4096xf32, #tpu.memory_space<vmem>>
      %dma_wait3A_158 = arith.constant 0 : i32
      %dma_wait3A_159 = tpu.memref_slice %arg2[%add3A_155, %dma_wait3A_158] : memref<8192x4096xf32, #tpu.memory_space<hbm>> -> memref<1x4096xf32, #tpu.memory_space<hbm>>
      %dma_wait3A_160 = tpu.memref_squeeze %dma_wait3A_159 : memref<1x4096xf32, #tpu.memory_space<hbm>> -> memref<4096xf32, #tpu.memory_space<hbm>>
      %dma_wait3A_161 = arith.constant 8192 : i32
      %dma_wait3A_162 = tpu.memref_slice %arg8[%dma_wait3A_161] : memref<16384xf32, #tpu.memory_space<vmem>> -> memref<4096xf32, #tpu.memory_space<vmem>>
      %dma_wait3A_163 = arith.constant 0 : i32
      %dma_wait3A_164 = tpu.memref_slice %arg2[%add3A_155, %dma_wait3A_163] : memref<8192x4096xf32, #tpu.memory_space<hbm>> -> memref<1x4096xf32, #tpu.memory_space<hbm>>
      %dma_wait3A_165 = tpu.memref_squeeze %dma_wait3A_164 : memref<1x4096xf32, #tpu.memory_space<hbm>> -> memref<4096xf32, #tpu.memory_space<hbm>>
      tpu.wait_dma2 semaphore(%arg12 : memref<!tpu.dma_semaphore, #tpu.memory_space<semaphore_mem>>) src(%dma_wait3A_165 : memref<4096xf32, #tpu.memory_space<hbm>>) dst(%dma_wait3A_162 : memref<4096xf32, #tpu.memory_space<vmem>>)
      %add3A_166 = arith.constant 3 : i32
      %add3A_167 = arith.addi %add3A_129, %add3A_166 : i32
      %dma_wait3A_168 = arith.constant 12288 : i32
      %dma_wait3A_169 = tpu.memref_slice %arg8[%dma_wait3A_168] : memref<16384xf32, #tpu.memory_space<vmem>> -> memref<4096xf32, #tpu.memory_space<vmem>>
      %dma_wait3A_170 = arith.constant 0 : i32
      %dma_wait3A_171 = tpu.memref_slice %arg2[%add3A_167, %dma_wait3A_170] : memref<8192x4096xf32, #tpu.memory_space<hbm>> -> memref<1x4096xf32, #tpu.memory_space<hbm>>
      %dma_wait3A_172 = tpu.memref_squeeze %dma_wait3A_171 : memref<1x4096xf32, #tpu.memory_space<hbm>> -> memref<4096xf32, #tpu.memory_space<hbm>>
      %dma_wait3A_173 = arith.constant 12288 : i32
      %dma_wait3A_174 = tpu.memref_slice %arg8[%dma_wait3A_173] : memref<16384xf32, #tpu.memory_space<vmem>> -> memref<4096xf32, #tpu.memory_space<vmem>>
      %dma_wait3A_175 = arith.constant 0 : i32
      %dma_wait3A_176 = tpu.memref_slice %arg2[%add3A_167, %dma_wait3A_175] : memref<8192x4096xf32, #tpu.memory_space<hbm>> -> memref<1x4096xf32, #tpu.memory_space<hbm>>
      %dma_wait3A_177 = tpu.memref_squeeze %dma_wait3A_176 : memref<1x4096xf32, #tpu.memory_space<hbm>> -> memref<4096xf32, #tpu.memory_space<hbm>>
      tpu.wait_dma2 semaphore(%arg12 : memref<!tpu.dma_semaphore, #tpu.memory_space<semaphore_mem>>) src(%dma_wait3A_177 : memref<4096xf32, #tpu.memory_space<hbm>>) dst(%dma_wait3A_174 : memref<4096xf32, #tpu.memory_space<vmem>>)
      %add3A_178 = arith.constant 0 : i32
      %add3A_179 = arith.addi %add3A_126, %add3A_178 : i32
      %dma_start3A_180 = arith.constant 0 : i32
      %dma_start3A_181 = tpu.memref_slice %arg8[%dma_start3A_180] : memref<16384xf32, #tpu.memory_space<vmem>> -> memref<4096xf32, #tpu.memory_space<vmem>>
      %dma_start3A_182 = arith.constant 0 : i32
      %dma_start3A_183 = tpu.memref_slice %arg5[%add3A_179, %dma_start3A_182] : memref<8192x8192xf32, #tpu.memory_space<hbm>> -> memref<1x4096xf32, #tpu.memory_space<hbm>>
      %dma_start3A_184 = tpu.memref_squeeze %dma_start3A_183 : memref<1x4096xf32, #tpu.memory_space<hbm>> -> memref<4096xf32, #tpu.memory_space<hbm>>
      %dma_start3A_185 = arith.constant 0 : i32
      %dma_start3A_186 = tpu.memref_slice %arg5[%add3A_179, %dma_start3A_185] : memref<8192x8192xf32, #tpu.memory_space<hbm>> -> memref<1x4096xf32, #tpu.memory_space<hbm>>
      %dma_start3A_187 = tpu.memref_squeeze %dma_start3A_186 : memref<1x4096xf32, #tpu.memory_space<hbm>> -> memref<4096xf32, #tpu.memory_space<hbm>>
      %dma_start3A_188 = arith.constant 0 : i32
      %dma_start3A_189 = tpu.memref_slice %arg8[%dma_start3A_188] : memref<16384xf32, #tpu.memory_space<vmem>> -> memref<4096xf32, #tpu.memory_space<vmem>>
      tpu.enqueue_dma source(%dma_start3A_189 : memref<4096xf32, #tpu.memory_space<vmem>>) target(%dma_start3A_187 : memref<4096xf32, #tpu.memory_space<hbm>>) target_semaphore(%arg14 : memref<!tpu.dma_semaphore, #tpu.memory_space<semaphore_mem>>)
      %add3A_190 = arith.constant 1 : i32
      %add3A_191 = arith.addi %add3A_126, %add3A_190 : i32
      %dma_start3A_192 = arith.constant 4096 : i32
      %dma_start3A_193 = tpu.memref_slice %arg8[%dma_start3A_192] : memref<16384xf32, #tpu.memory_space<vmem>> -> memref<4096xf32, #tpu.memory_space<vmem>>
      %dma_start3A_194 = arith.constant 0 : i32
      %dma_start3A_195 = tpu.memref_slice %arg5[%add3A_191, %dma_start3A_194] : memref<8192x8192xf32, #tpu.memory_space<hbm>> -> memref<1x4096xf32, #tpu.memory_space<hbm>>
      %dma_start3A_196 = tpu.memref_squeeze %dma_start3A_195 : memref<1x4096xf32, #tpu.memory_space<hbm>> -> memref<4096xf32, #tpu.memory_space<hbm>>
      %dma_start3A_197 = arith.constant 0 : i32
      %dma_start3A_198 = tpu.memref_slice %arg5[%add3A_191, %dma_start3A_197] : memref<8192x8192xf32, #tpu.memory_space<hbm>> -> memref<1x4096xf32, #tpu.memory_space<hbm>>
      %dma_start3A_199 = tpu.memref_squeeze %dma_start3A_198 : memref<1x4096xf32, #tpu.memory_space<hbm>> -> memref<4096xf32, #tpu.memory_space<hbm>>
      %dma_start3A_200 = arith.constant 4096 : i32
      %dma_start3A_201 = tpu.memref_slice %arg8[%dma_start3A_200] : memref<16384xf32, #tpu.memory_space<vmem>> -> memref<4096xf32, #tpu.memory_space<vmem>>
      tpu.enqueue_dma source(%dma_start3A_201 : memref<4096xf32, #tpu.memory_space<vmem>>) target(%dma_start3A_199 : memref<4096xf32, #tpu.memory_space<hbm>>) target_semaphore(%arg14 : memref<!tpu.dma_semaphore, #tpu.memory_space<semaphore_mem>>)
      %add3A_202 = arith.constant 2 : i32
      %add3A_203 = arith.addi %add3A_126, %add3A_202 : i32
      %dma_start3A_204 = arith.constant 8192 : i32
      %dma_start3A_205 = tpu.memref_slice %arg8[%dma_start3A_204] : memref<16384xf32, #tpu.memory_space<vmem>> -> memref<4096xf32, #tpu.memory_space<vmem>>
      %dma_start3A_206 = arith.constant 0 : i32
      %dma_start3A_207 = tpu.memref_slice %arg5[%add3A_203, %dma_start3A_206] : memref<8192x8192xf32, #tpu.memory_space<hbm>> -> memref<1x4096xf32, #tpu.memory_space<hbm>>
      %dma_start3A_208 = tpu.memref_squeeze %dma_start3A_207 : memref<1x4096xf32, #tpu.memory_space<hbm>> -> memref<4096xf32, #tpu.memory_space<hbm>>
      %dma_start3A_209 = arith.constant 0 : i32
      %dma_start3A_210 = tpu.memref_slice %arg5[%add3A_203, %dma_start3A_209] : memref<8192x8192xf32, #tpu.memory_space<hbm>> -> memref<1x4096xf32, #tpu.memory_space<hbm>>
      %dma_start3A_211 = tpu.memref_squeeze %dma_start3A_210 : memref<1x4096xf32, #tpu.memory_space<hbm>> -> memref<4096xf32, #tpu.memory_space<hbm>>
      %dma_start3A_212 = arith.constant 8192 : i32
      %dma_start3A_213 = tpu.memref_slice %arg8[%dma_start3A_212] : memref<16384xf32, #tpu.memory_space<vmem>> -> memref<4096xf32, #tpu.memory_space<vmem>>
      tpu.enqueue_dma source(%dma_start3A_213 : memref<4096xf32, #tpu.memory_space<vmem>>) target(%dma_start3A_211 : memref<4096xf32, #tpu.memory_space<hbm>>) target_semaphore(%arg14 : memref<!tpu.dma_semaphore, #tpu.memory_space<semaphore_mem>>)
      %add3A_214 = arith.constant 3 : i32
      %add3A_215 = arith.addi %add3A_126, %add3A_214 : i32
      %dma_start3A_216 = arith.constant 12288 : i32
      %dma_start3A_217 = tpu.memref_slice %arg8[%dma_start3A_216] : memref<16384xf32, #tpu.memory_space<vmem>> -> memref<4096xf32, #tpu.memory_space<vmem>>
      %dma_start3A_218 = arith.constant 0 : i32
      %dma_start3A_219 = tpu.memref_slice %arg5[%add3A_215, %dma_start3A_218] : memref<8192x8192xf32, #tpu.memory_space<hbm>> -> memref<1x4096xf32, #tpu.memory_space<hbm>>
      %dma_start3A_220 = tpu.memref_squeeze %dma_start3A_219 : memref<1x4096xf32, #tpu.memory_space<hbm>> -> memref<4096xf32, #tpu.memory_space<hbm>>
      %dma_start3A_221 = arith.constant 0 : i32
      %dma_start3A_222 = tpu.memref_slice %arg5[%add3A_215, %dma_start3A_221] : memref<8192x8192xf32, #tpu.memory_space<hbm>> -> memref<1x4096xf32, #tpu.memory_space<hbm>>
      %dma_start3A_223 = tpu.memref_squeeze %dma_start3A_222 : memref<1x4096xf32, #tpu.memory_space<hbm>> -> memref<4096xf32, #tpu.memory_space<hbm>>
      %dma_start3A_224 = arith.constant 12288 : i32
      %dma_start3A_225 = tpu.memref_slice %arg8[%dma_start3A_224] : memref<16384xf32, #tpu.memory_space<vmem>> -> memref<4096xf32, #tpu.memory_space<vmem>>
      tpu.enqueue_dma source(%dma_start3A_225 : memref<4096xf32, #tpu.memory_space<vmem>>) target(%dma_start3A_223 : memref<4096xf32, #tpu.memory_space<hbm>>) target_semaphore(%arg14 : memref<!tpu.dma_semaphore, #tpu.memory_space<semaphore_mem>>)
      %ge3A = arith.constant 2 : i32
      %ge3A_226 = arith.cmpi sge, %add3A_123, %ge3A : i32
      %convert_element_type3A = arith.extui %ge3A_226 : i1 to i32
      %cond3A = arith.constant 0 : i32
      %cond3A_227 = arith.cmpi ne, %convert_element_type3A, %cond3A : i32
      scf.if %cond3A_227 {
        %mul3A_449 = arith.constant 4 : i32
        %mul3A_450 = arith.muli %add3A_123, %mul3A_449 : i32
        %add3A_451 = arith.addi %mul3A_2, %mul3A_450 : i32
        %dma_wait3A_452 = arith.constant 4096 : i32
        %dma_wait3A_453 = tpu.memref_slice %arg5[%add3A_451, %dma_wait3A_452] : memref<8192x8192xf32, #tpu.memory_space<hbm>> -> memref<4x4096xf32, #tpu.memory_space<hbm>>
        %dma_wait3A_454 = arith.constant 4096 : i32
        %dma_wait3A_455 = tpu.memref_slice %arg5[%add3A_451, %dma_wait3A_454] : memref<8192x8192xf32, #tpu.memory_space<hbm>> -> memref<4x4096xf32, #tpu.memory_space<hbm>>
        tpu.wait_dma2 semaphore(%arg15 : memref<!tpu.dma_semaphore, #tpu.memory_space<semaphore_mem>>) src(%arg10 : memref<4x4096xf32, #tpu.memory_space<vmem>>) dst(%dma_wait3A_455 : memref<4x4096xf32, #tpu.memory_space<hbm>>)
      } else {
      }
      %parallel_loop3A = arith.constant 0 : i32
      %parallel_loop3A_228 = arith.constant 256 : i32
      %parallel_loop3A_229 = arith.constant 1 : i32
      scf.for %parallel_loop3A_449 = %parallel_loop3A to %parallel_loop3A_228 step %parallel_loop3A_229  : i32 {
        %parallel_loop3A_450 = arith.constant 16 : i32
        %parallel_loop3A_451 = arith.muli %parallel_loop3A_449, %parallel_loop3A_450 : i32
        %parallel_loop3A_452 = arith.index_cast %parallel_loop3A_451 : i32 to index
        %parallel_loop3A_453 = tpu.vector_load %arg6[%parallel_loop3A_452] {strides = array<i32>} : memref<4096xi32, #tpu.memory_space<vmem>>, vector<16xi32>,
        %parallel_loop3A_454 = arith.index_cast %parallel_loop3A_451 : i32 to index
        %parallel_loop3A_455 = tpu.vector_load %arg7[%parallel_loop3A_454] {strides = array<i32>} : memref<4096xf32, #tpu.memory_space<vmem>>, vector<16xf32>,
        %parallel_loop3A_456 = arith.constant 0 : i32
        %parallel_loop3A_457 = tpu.memref_slice %arg8[%parallel_loop3A_456] : memref<16384xf32, #tpu.memory_space<vmem>> -> memref<4096xf32, #tpu.memory_space<vmem>>
        %parallel_loop3A_458 = tpu.vector_load_idx %parallel_loop3A_457[%parallel_loop3A_453] : memref<4096xf32, #tpu.memory_space<vmem>>[vector<16xi32>], vector<16xf32>,
        %parallel_loop3A_459 = arith.mulf %parallel_loop3A_458, %parallel_loop3A_455 : vector<16xf32>
        %parallel_loop3A_460 = arith.constant 0 : i32
        %parallel_loop3A_461 = arith.index_cast %parallel_loop3A_460 : i32 to index
        %parallel_loop3A_462 = arith.index_cast %parallel_loop3A_451 : i32 to index
        %parallel_loop3A_463 = tpu.vector_load %arg10[%parallel_loop3A_461, %parallel_loop3A_462] {strides = array<i32>} : memref<4x4096xf32, #tpu.memory_space<vmem>>, vector<16xf32>,
        tpu.vector_store %arg10[%parallel_loop3A_461, %parallel_loop3A_462], %parallel_loop3A_459 {strides = array<i32>} : memref<4x4096xf32, #tpu.memory_space<vmem>>, vector<16xf32>,
        %parallel_loop3A_464 = arith.constant 4096 : i32
        %parallel_loop3A_465 = tpu.memref_slice %arg8[%parallel_loop3A_464] : memref<16384xf32, #tpu.memory_space<vmem>> -> memref<4096xf32, #tpu.memory_space<vmem>>
        %parallel_loop3A_466 = tpu.vector_load_idx %parallel_loop3A_465[%parallel_loop3A_453] : memref<4096xf32, #tpu.memory_space<vmem>>[vector<16xi32>], vector<16xf32>,
        %parallel_loop3A_467 = arith.mulf %parallel_loop3A_466, %parallel_loop3A_455 : vector<16xf32>
        %parallel_loop3A_468 = arith.constant 1 : i32
        %parallel_loop3A_469 = arith.index_cast %parallel_loop3A_468 : i32 to index
        %parallel_loop3A_470 = arith.index_cast %parallel_loop3A_451 : i32 to index
        %parallel_loop3A_471 = tpu.vector_load %arg10[%parallel_loop3A_469, %parallel_loop3A_470] {strides = array<i32>} : memref<4x4096xf32, #tpu.memory_space<vmem>>, vector<16xf32>,
        tpu.vector_store %arg10[%parallel_loop3A_469, %parallel_loop3A_470], %parallel_loop3A_467 {strides = array<i32>} : memref<4x4096xf32, #tpu.memory_space<vmem>>, vector<16xf32>,
        %parallel_loop3A_472 = arith.constant 8192 : i32
        %parallel_loop3A_473 = tpu.memref_slice %arg8[%parallel_loop3A_472] : memref<16384xf32, #tpu.memory_space<vmem>> -> memref<4096xf32, #tpu.memory_space<vmem>>
        %parallel_loop3A_474 = tpu.vector_load_idx %parallel_loop3A_473[%parallel_loop3A_453] : memref<4096xf32, #tpu.memory_space<vmem>>[vector<16xi32>], vector<16xf32>,
        %parallel_loop3A_475 = arith.mulf %parallel_loop3A_474, %parallel_loop3A_455 : vector<16xf32>
        %parallel_loop3A_476 = arith.constant 2 : i32
        %parallel_loop3A_477 = arith.index_cast %parallel_loop3A_476 : i32 to index
        %parallel_loop3A_478 = arith.index_cast %parallel_loop3A_451 : i32 to index
        %parallel_loop3A_479 = tpu.vector_load %arg10[%parallel_loop3A_477, %parallel_loop3A_478] {strides = array<i32>} : memref<4x4096xf32, #tpu.memory_space<vmem>>, vector<16xf32>,
        tpu.vector_store %arg10[%parallel_loop3A_477, %parallel_loop3A_478], %parallel_loop3A_475 {strides = array<i32>} : memref<4x4096xf32, #tpu.memory_space<vmem>>, vector<16xf32>,
        %parallel_loop3A_480 = arith.constant 12288 : i32
        %parallel_loop3A_481 = tpu.memref_slice %arg8[%parallel_loop3A_480] : memref<16384xf32, #tpu.memory_space<vmem>> -> memref<4096xf32, #tpu.memory_space<vmem>>
        %parallel_loop3A_482 = tpu.vector_load_idx %parallel_loop3A_481[%parallel_loop3A_453] : memref<4096xf32, #tpu.memory_space<vmem>>[vector<16xi32>], vector<16xf32>,
        %parallel_loop3A_483 = arith.mulf %parallel_loop3A_482, %parallel_loop3A_455 : vector<16xf32>
        %parallel_loop3A_484 = arith.constant 3 : i32
        %parallel_loop3A_485 = arith.index_cast %parallel_loop3A_484 : i32 to index
        %parallel_loop3A_486 = arith.index_cast %parallel_loop3A_451 : i32 to index
        %parallel_loop3A_487 = tpu.vector_load %arg10[%parallel_loop3A_485, %parallel_loop3A_486] {strides = array<i32>} : memref<4x4096xf32, #tpu.memory_space<vmem>>, vector<16xf32>,
        tpu.vector_store %arg10[%parallel_loop3A_485, %parallel_loop3A_486], %parallel_loop3A_483 {strides = array<i32>} : memref<4x4096xf32, #tpu.memory_space<vmem>>, vector<16xf32>,
      } {sc.loop_unroll_factor = 8 : i64, sc.parallel_access}
      %mul3A_230 = arith.constant 4 : i32
      %mul3A_231 = arith.muli %add3A_123, %mul3A_230 : i32
      %add3A_232 = arith.addi %mul3A_2, %mul3A_231 : i32
      %dma_start3A_233 = arith.constant 4096 : i32
      %dma_start3A_234 = tpu.memref_slice %arg5[%add3A_232, %dma_start3A_233] : memref<8192x8192xf32, #tpu.memory_space<hbm>> -> memref<4x4096xf32, #tpu.memory_space<hbm>>
      %dma_start3A_235 = arith.constant 4096 : i32
      %dma_start3A_236 = tpu.memref_slice %arg5[%add3A_232, %dma_start3A_235] : memref<8192x8192xf32, #tpu.memory_space<hbm>> -> memref<4x4096xf32, #tpu.memory_space<hbm>>
      tpu.enqueue_dma source(%arg10 : memref<4x4096xf32, #tpu.memory_space<vmem>>) target(%dma_start3A_236 : memref<4x4096xf32, #tpu.memory_space<hbm>>) target_semaphore(%arg15 : memref<!tpu.dma_semaphore, #tpu.memory_space<semaphore_mem>>)
      %dma_wait3A_237 = arith.constant 0 : i32
      %dma_wait3A_238 = tpu.memref_slice %arg8[%dma_wait3A_237] : memref<16384xf32, #tpu.memory_space<vmem>> -> memref<4096xf32, #tpu.memory_space<vmem>>
      %dma_wait3A_239 = arith.constant 0 : i32
      %dma_wait3A_240 = tpu.memref_slice %arg5[%add3A_179, %dma_wait3A_239] : memref<8192x8192xf32, #tpu.memory_space<hbm>> -> memref<1x4096xf32, #tpu.memory_space<hbm>>
      %dma_wait3A_241 = tpu.memref_squeeze %dma_wait3A_240 : memref<1x4096xf32, #tpu.memory_space<hbm>> -> memref<4096xf32, #tpu.memory_space<hbm>>
      %dma_wait3A_242 = arith.constant 0 : i32
      %dma_wait3A_243 = tpu.memref_slice %arg5[%add3A_179, %dma_wait3A_242] : memref<8192x8192xf32, #tpu.memory_space<hbm>> -> memref<1x4096xf32, #tpu.memory_space<hbm>>
      %dma_wait3A_244 = tpu.memref_squeeze %dma_wait3A_243 : memref<1x4096xf32, #tpu.memory_space<hbm>> -> memref<4096xf32, #tpu.memory_space<hbm>>
      %dma_wait3A_245 = arith.constant 0 : i32
      %dma_wait3A_246 = tpu.memref_slice %arg8[%dma_wait3A_245] : memref<16384xf32, #tpu.memory_space<vmem>> -> memref<4096xf32, #tpu.memory_space<vmem>>
      tpu.wait_dma2 semaphore(%arg14 : memref<!tpu.dma_semaphore, #tpu.memory_space<semaphore_mem>>) src(%dma_wait3A_246 : memref<4096xf32, #tpu.memory_space<vmem>>) dst(%dma_wait3A_244 : memref<4096xf32, #tpu.memory_space<hbm>>)
      %dma_wait3A_247 = arith.constant 4096 : i32
      %dma_wait3A_248 = tpu.memref_slice %arg8[%dma_wait3A_247] : memref<16384xf32, #tpu.memory_space<vmem>> -> memref<4096xf32, #tpu.memory_space<vmem>>
      %dma_wait3A_249 = arith.constant 0 : i32
      %dma_wait3A_250 = tpu.memref_slice %arg5[%add3A_191, %dma_wait3A_249] : memref<8192x8192xf32, #tpu.memory_space<hbm>> -> memref<1x4096xf32, #tpu.memory_space<hbm>>
      %dma_wait3A_251 = tpu.memref_squeeze %dma_wait3A_250 : memref<1x4096xf32, #tpu.memory_space<hbm>> -> memref<4096xf32, #tpu.memory_space<hbm>>
      %dma_wait3A_252 = arith.constant 0 : i32
      %dma_wait3A_253 = tpu.memref_slice %arg5[%add3A_191, %dma_wait3A_252] : memref<8192x8192xf32, #tpu.memory_space<hbm>> -> memref<1x4096xf32, #tpu.memory_space<hbm>>
      %dma_wait3A_254 = tpu.memref_squeeze %dma_wait3A_253 : memref<1x4096xf32, #tpu.memory_space<hbm>> -> memref<4096xf32, #tpu.memory_space<hbm>>
      %dma_wait3A_255 = arith.constant 4096 : i32
      %dma_wait3A_256 = tpu.memref_slice %arg8[%dma_wait3A_255] : memref<16384xf32, #tpu.memory_space<vmem>> -> memref<4096xf32, #tpu.memory_space<vmem>>
      tpu.wait_dma2 semaphore(%arg14 : memref<!tpu.dma_semaphore, #tpu.memory_space<semaphore_mem>>) src(%dma_wait3A_256 : memref<4096xf32, #tpu.memory_space<vmem>>) dst(%dma_wait3A_254 : memref<4096xf32, #tpu.memory_space<hbm>>)
      %dma_wait3A_257 = arith.constant 8192 : i32
      %dma_wait3A_258 = tpu.memref_slice %arg8[%dma_wait3A_257] : memref<16384xf32, #tpu.memory_space<vmem>> -> memref<4096xf32, #tpu.memory_space<vmem>>
      %dma_wait3A_259 = arith.constant 0 : i32
      %dma_wait3A_260 = tpu.memref_slice %arg5[%add3A_203, %dma_wait3A_259] : memref<8192x8192xf32, #tpu.memory_space<hbm>> -> memref<1x4096xf32, #tpu.memory_space<hbm>>
      %dma_wait3A_261 = tpu.memref_squeeze %dma_wait3A_260 : memref<1x4096xf32, #tpu.memory_space<hbm>> -> memref<4096xf32, #tpu.memory_space<hbm>>
      %dma_wait3A_262 = arith.constant 0 : i32
      %dma_wait3A_263 = tpu.memref_slice %arg5[%add3A_203, %dma_wait3A_262] : memref<8192x8192xf32, #tpu.memory_space<hbm>> -> memref<1x4096xf32, #tpu.memory_space<hbm>>
      %dma_wait3A_264 = tpu.memref_squeeze %dma_wait3A_263 : memref<1x4096xf32, #tpu.memory_space<hbm>> -> memref<4096xf32, #tpu.memory_space<hbm>>
      %dma_wait3A_265 = arith.constant 8192 : i32
      %dma_wait3A_266 = tpu.memref_slice %arg8[%dma_wait3A_265] : memref<16384xf32, #tpu.memory_space<vmem>> -> memref<4096xf32, #tpu.memory_space<vmem>>
      tpu.wait_dma2 semaphore(%arg14 : memref<!tpu.dma_semaphore, #tpu.memory_space<semaphore_mem>>) src(%dma_wait3A_266 : memref<4096xf32, #tpu.memory_space<vmem>>) dst(%dma_wait3A_264 : memref<4096xf32, #tpu.memory_space<hbm>>)
      %dma_wait3A_267 = arith.constant 12288 : i32
      %dma_wait3A_268 = tpu.memref_slice %arg8[%dma_wait3A_267] : memref<16384xf32, #tpu.memory_space<vmem>> -> memref<4096xf32, #tpu.memory_space<vmem>>
      %dma_wait3A_269 = arith.constant 0 : i32
      %dma_wait3A_270 = tpu.memref_slice %arg5[%add3A_215, %dma_wait3A_269] : memref<8192x8192xf32, #tpu.memory_space<hbm>> -> memref<1x4096xf32, #tpu.memory_space<hbm>>
      %dma_wait3A_271 = tpu.memref_squeeze %dma_wait3A_270 : memref<1x4096xf32, #tpu.memory_space<hbm>> -> memref<4096xf32, #tpu.memory_space<hbm>>
      %dma_wait3A_272 = arith.constant 0 : i32
      %dma_wait3A_273 = tpu.memref_slice %arg5[%add3A_215, %dma_wait3A_272] : memref<8192x8192xf32, #tpu.memory_space<hbm>> -> memref<1x4096xf32, #tpu.memory_space<hbm>>
      %dma_wait3A_274 = tpu.memref_squeeze %dma_wait3A_273 : memref<1x4096xf32, #tpu.memory_space<hbm>> -> memref<4096xf32, #tpu.memory_space<hbm>>
      %dma_wait3A_275 = arith.constant 12288 : i32
      %dma_wait3A_276 = tpu.memref_slice %arg8[%dma_wait3A_275] : memref<16384xf32, #tpu.memory_space<vmem>> -> memref<4096xf32, #tpu.memory_space<vmem>>
      tpu.wait_dma2 semaphore(%arg14 : memref<!tpu.dma_semaphore, #tpu.memory_space<semaphore_mem>>) src(%dma_wait3A_276 : memref<4096xf32, #tpu.memory_space<vmem>>) dst(%dma_wait3A_274 : memref<4096xf32, #tpu.memory_space<hbm>>)
      %add3A_277 = arith.constant 2 : i32
      %add3A_278 = arith.addi %add3A_123, %add3A_277 : i32
      %lt3A = arith.constant 64 : i32
      %lt3A_279 = arith.cmpi slt, %add3A_278, %lt3A : i32
      %convert_element_type3A_280 = arith.extui %lt3A_279 : i1 to i32
      %cond3A_281 = arith.constant 0 : i32
      %cond3A_282 = arith.cmpi ne, %convert_element_type3A_280, %cond3A_281 : i32
      scf.if %cond3A_282 {
        %add3A_449 = arith.constant 2 : i32
        %add3A_450 = arith.addi %add3A_123, %add3A_449 : i32
        %mul3A_451 = arith.constant 4 : i32
        %mul3A_452 = arith.muli %add3A_450, %mul3A_451 : i32
        %add3A_453 = arith.addi %mul3A_2, %mul3A_452 : i32
        %add3A_454 = arith.constant 0 : i32
        %add3A_455 = arith.addi %add3A_453, %add3A_454 : i32
        %dma_start3A_456 = arith.constant 0 : i32
        %dma_start3A_457 = tpu.memref_slice %arg8[%dma_start3A_456] : memref<16384xf32, #tpu.memory_space<vmem>> -> memref<4096xf32, #tpu.memory_space<vmem>>
        %dma_start3A_458 = arith.constant 0 : i32
        %dma_start3A_459 = tpu.memref_slice %arg2[%add3A_455, %dma_start3A_458] : memref<8192x4096xf32, #tpu.memory_space<hbm>> -> memref<1x4096xf32, #tpu.memory_space<hbm>>
        %dma_start3A_460 = tpu.memref_squeeze %dma_start3A_459 : memref<1x4096xf32, #tpu.memory_space<hbm>> -> memref<4096xf32, #tpu.memory_space<hbm>>
        %dma_start3A_461 = arith.constant 0 : i32
        %dma_start3A_462 = tpu.memref_slice %arg8[%dma_start3A_461] : memref<16384xf32, #tpu.memory_space<vmem>> -> memref<4096xf32, #tpu.memory_space<vmem>>
        %dma_start3A_463 = arith.constant 0 : i32
        %dma_start3A_464 = tpu.memref_slice %arg2[%add3A_455, %dma_start3A_463] : memref<8192x4096xf32, #tpu.memory_space<hbm>> -> memref<1x4096xf32, #tpu.memory_space<hbm>>
        %dma_start3A_465 = tpu.memref_squeeze %dma_start3A_464 : memref<1x4096xf32, #tpu.memory_space<hbm>> -> memref<4096xf32, #tpu.memory_space<hbm>>
        tpu.enqueue_dma source(%dma_start3A_465 : memref<4096xf32, #tpu.memory_space<hbm>>) target(%dma_start3A_462 : memref<4096xf32, #tpu.memory_space<vmem>>) target_semaphore(%arg12 : memref<!tpu.dma_semaphore, #tpu.memory_space<semaphore_mem>>)
        %add3A_466 = arith.constant 1 : i32
        %add3A_467 = arith.addi %add3A_453, %add3A_466 : i32
        %dma_start3A_468 = arith.constant 4096 : i32
        %dma_start3A_469 = tpu.memref_slice %arg8[%dma_start3A_468] : memref<16384xf32, #tpu.memory_space<vmem>> -> memref<4096xf32, #tpu.memory_space<vmem>>
        %dma_start3A_470 = arith.constant 0 : i32
        %dma_start3A_471 = tpu.memref_slice %arg2[%add3A_467, %dma_start3A_470] : memref<8192x4096xf32, #tpu.memory_space<hbm>> -> memref<1x4096xf32, #tpu.memory_space<hbm>>
        %dma_start3A_472 = tpu.memref_squeeze %dma_start3A_471 : memref<1x4096xf32, #tpu.memory_space<hbm>> -> memref<4096xf32, #tpu.memory_space<hbm>>
        %dma_start3A_473 = arith.constant 4096 : i32
        %dma_start3A_474 = tpu.memref_slice %arg8[%dma_start3A_473] : memref<16384xf32, #tpu.memory_space<vmem>> -> memref<4096xf32, #tpu.memory_space<vmem>>
        %dma_start3A_475 = arith.constant 0 : i32
        %dma_start3A_476 = tpu.memref_slice %arg2[%add3A_467, %dma_start3A_475] : memref<8192x4096xf32, #tpu.memory_space<hbm>> -> memref<1x4096xf32, #tpu.memory_space<hbm>>
        %dma_start3A_477 = tpu.memref_squeeze %dma_start3A_476 : memref<1x4096xf32, #tpu.memory_space<hbm>> -> memref<4096xf32, #tpu.memory_space<hbm>>
        tpu.enqueue_dma source(%dma_start3A_477 : memref<4096xf32, #tpu.memory_space<hbm>>) target(%dma_start3A_474 : memref<4096xf32, #tpu.memory_space<vmem>>) target_semaphore(%arg12 : memref<!tpu.dma_semaphore, #tpu.memory_space<semaphore_mem>>)
        %add3A_478 = arith.constant 2 : i32
        %add3A_479 = arith.addi %add3A_453, %add3A_478 : i32
        %dma_start3A_480 = arith.constant 8192 : i32
        %dma_start3A_481 = tpu.memref_slice %arg8[%dma_start3A_480] : memref<16384xf32, #tpu.memory_space<vmem>> -> memref<4096xf32, #tpu.memory_space<vmem>>
        %dma_start3A_482 = arith.constant 0 : i32
        %dma_start3A_483 = tpu.memref_slice %arg2[%add3A_479, %dma_start3A_482] : memref<8192x4096xf32, #tpu.memory_space<hbm>> -> memref<1x4096xf32, #tpu.memory_space<hbm>>
        %dma_start3A_484 = tpu.memref_squeeze %dma_start3A_483 : memref<1x4096xf32, #tpu.memory_space<hbm>> -> memref<4096xf32, #tpu.memory_space<hbm>>
        %dma_start3A_485 = arith.constant 8192 : i32
        %dma_start3A_486 = tpu.memref_slice %arg8[%dma_start3A_485] : memref<16384xf32, #tpu.memory_space<vmem>> -> memref<4096xf32, #tpu.memory_space<vmem>>
        %dma_start3A_487 = arith.constant 0 : i32
        %dma_start3A_488 = tpu.memref_slice %arg2[%add3A_479, %dma_start3A_487] : memref<8192x4096xf32, #tpu.memory_space<hbm>> -> memref<1x4096xf32, #tpu.memory_space<hbm>>
        %dma_start3A_489 = tpu.memref_squeeze %dma_start3A_488 : memref<1x4096xf32, #tpu.memory_space<hbm>> -> memref<4096xf32, #tpu.memory_space<hbm>>
        tpu.enqueue_dma source(%dma_start3A_489 : memref<4096xf32, #tpu.memory_space<hbm>>) target(%dma_start3A_486 : memref<4096xf32, #tpu.memory_space<vmem>>) target_semaphore(%arg12 : memref<!tpu.dma_semaphore, #tpu.memory_space<semaphore_mem>>)
        %add3A_490 = arith.constant 3 : i32
        %add3A_491 = arith.addi %add3A_453, %add3A_490 : i32
        %dma_start3A_492 = arith.constant 12288 : i32
        %dma_start3A_493 = tpu.memref_slice %arg8[%dma_start3A_492] : memref<16384xf32, #tpu.memory_space<vmem>> -> memref<4096xf32, #tpu.memory_space<vmem>>
        %dma_start3A_494 = arith.constant 0 : i32
        %dma_start3A_495 = tpu.memref_slice %arg2[%add3A_491, %dma_start3A_494] : memref<8192x4096xf32, #tpu.memory_space<hbm>> -> memref<1x4096xf32, #tpu.memory_space<hbm>>
        %dma_start3A_496 = tpu.memref_squeeze %dma_start3A_495 : memref<1x4096xf32, #tpu.memory_space<hbm>> -> memref<4096xf32, #tpu.memory_space<hbm>>
        %dma_start3A_497 = arith.constant 12288 : i32
        %dma_start3A_498 = tpu.memref_slice %arg8[%dma_start3A_497] : memref<16384xf32, #tpu.memory_space<vmem>> -> memref<4096xf32, #tpu.memory_space<vmem>>
        %dma_start3A_499 = arith.constant 0 : i32
        %dma_start3A_500 = tpu.memref_slice %arg2[%add3A_491, %dma_start3A_499] : memref<8192x4096xf32, #tpu.memory_space<hbm>> -> memref<1x4096xf32, #tpu.memory_space<hbm>>
        %dma_start3A_501 = tpu.memref_squeeze %dma_start3A_500 : memref<1x4096xf32, #tpu.memory_space<hbm>> -> memref<4096xf32, #tpu.memory_space<hbm>>
        tpu.enqueue_dma source(%dma_start3A_501 : memref<4096xf32, #tpu.memory_space<hbm>>) target(%dma_start3A_498 : memref<4096xf32, #tpu.memory_space<vmem>>) target_semaphore(%arg12 : memref<!tpu.dma_semaphore, #tpu.memory_space<semaphore_mem>>)
      } else {
      }
      %add3A_283 = arith.constant 1 : i32
      %add3A_284 = arith.addi %add3A_121, %add3A_283 : i32
      %mul3A_285 = arith.constant 4 : i32
      %mul3A_286 = arith.muli %add3A_284, %mul3A_285 : i32
      %add3A_287 = arith.addi %mul3A_2, %mul3A_286 : i32
      %mul3A_288 = arith.constant 4 : i32
      %mul3A_289 = arith.muli %add3A_284, %mul3A_288 : i32
      %add3A_290 = arith.addi %mul3A_2, %mul3A_289 : i32
      %add3A_291 = arith.constant 0 : i32
      %add3A_292 = arith.addi %add3A_290, %add3A_291 : i32
      %dma_wait3A_293 = arith.constant 0 : i32
      %dma_wait3A_294 = tpu.memref_slice %arg9[%dma_wait3A_293] : memref<16384xf32, #tpu.memory_space<vmem>> -> memref<4096xf32, #tpu.memory_space<vmem>>
      %dma_wait3A_295 = arith.constant 0 : i32
      %dma_wait3A_296 = tpu.memref_slice %arg2[%add3A_292, %dma_wait3A_295] : memref<8192x4096xf32, #tpu.memory_space<hbm>> -> memref<1x4096xf32, #tpu.memory_space<hbm>>
      %dma_wait3A_297 = tpu.memref_squeeze %dma_wait3A_296 : memref<1x4096xf32, #tpu.memory_space<hbm>> -> memref<4096xf32, #tpu.memory_space<hbm>>
      %dma_wait3A_298 = arith.constant 0 : i32
      %dma_wait3A_299 = tpu.memref_slice %arg9[%dma_wait3A_298] : memref<16384xf32, #tpu.memory_space<vmem>> -> memref<4096xf32, #tpu.memory_space<vmem>>
      %dma_wait3A_300 = arith.constant 0 : i32
      %dma_wait3A_301 = tpu.memref_slice %arg2[%add3A_292, %dma_wait3A_300] : memref<8192x4096xf32, #tpu.memory_space<hbm>> -> memref<1x4096xf32, #tpu.memory_space<hbm>>
      %dma_wait3A_302 = tpu.memref_squeeze %dma_wait3A_301 : memref<1x4096xf32, #tpu.memory_space<hbm>> -> memref<4096xf32, #tpu.memory_space<hbm>>
      tpu.wait_dma2 semaphore(%arg13 : memref<!tpu.dma_semaphore, #tpu.memory_space<semaphore_mem>>) src(%dma_wait3A_302 : memref<4096xf32, #tpu.memory_space<hbm>>) dst(%dma_wait3A_299 : memref<4096xf32, #tpu.memory_space<vmem>>)
      %add3A_303 = arith.constant 1 : i32
      %add3A_304 = arith.addi %add3A_290, %add3A_303 : i32
      %dma_wait3A_305 = arith.constant 4096 : i32
      %dma_wait3A_306 = tpu.memref_slice %arg9[%dma_wait3A_305] : memref<16384xf32, #tpu.memory_space<vmem>> -> memref<4096xf32, #tpu.memory_space<vmem>>
      %dma_wait3A_307 = arith.constant 0 : i32
      %dma_wait3A_308 = tpu.memref_slice %arg2[%add3A_304, %dma_wait3A_307] : memref<8192x4096xf32, #tpu.memory_space<hbm>> -> memref<1x4096xf32, #tpu.memory_space<hbm>>
      %dma_wait3A_309 = tpu.memref_squeeze %dma_wait3A_308 : memref<1x4096xf32, #tpu.memory_space<hbm>> -> memref<4096xf32, #tpu.memory_space<hbm>>
      %dma_wait3A_310 = arith.constant 4096 : i32
      %dma_wait3A_311 = tpu.memref_slice %arg9[%dma_wait3A_310] : memref<16384xf32, #tpu.memory_space<vmem>> -> memref<4096xf32, #tpu.memory_space<vmem>>
      %dma_wait3A_312 = arith.constant 0 : i32
      %dma_wait3A_313 = tpu.memref_slice %arg2[%add3A_304, %dma_wait3A_312] : memref<8192x4096xf32, #tpu.memory_space<hbm>> -> memref<1x4096xf32, #tpu.memory_space<hbm>>
      %dma_wait3A_314 = tpu.memref_squeeze %dma_wait3A_313 : memref<1x4096xf32, #tpu.memory_space<hbm>> -> memref<4096xf32, #tpu.memory_space<hbm>>
      tpu.wait_dma2 semaphore(%arg13 : memref<!tpu.dma_semaphore, #tpu.memory_space<semaphore_mem>>) src(%dma_wait3A_314 : memref<4096xf32, #tpu.memory_space<hbm>>) dst(%dma_wait3A_311 : memref<4096xf32, #tpu.memory_space<vmem>>)
      %add3A_315 = arith.constant 2 : i32
      %add3A_316 = arith.addi %add3A_290, %add3A_315 : i32
      %dma_wait3A_317 = arith.constant 8192 : i32
      %dma_wait3A_318 = tpu.memref_slice %arg9[%dma_wait3A_317] : memref<16384xf32, #tpu.memory_space<vmem>> -> memref<4096xf32, #tpu.memory_space<vmem>>
      %dma_wait3A_319 = arith.constant 0 : i32
      %dma_wait3A_320 = tpu.memref_slice %arg2[%add3A_316, %dma_wait3A_319] : memref<8192x4096xf32, #tpu.memory_space<hbm>> -> memref<1x4096xf32, #tpu.memory_space<hbm>>
      %dma_wait3A_321 = tpu.memref_squeeze %dma_wait3A_320 : memref<1x4096xf32, #tpu.memory_space<hbm>> -> memref<4096xf32, #tpu.memory_space<hbm>>
      %dma_wait3A_322 = arith.constant 8192 : i32
      %dma_wait3A_323 = tpu.memref_slice %arg9[%dma_wait3A_322] : memref<16384xf32, #tpu.memory_space<vmem>> -> memref<4096xf32, #tpu.memory_space<vmem>>
      %dma_wait3A_324 = arith.constant 0 : i32
      %dma_wait3A_325 = tpu.memref_slice %arg2[%add3A_316, %dma_wait3A_324] : memref<8192x4096xf32, #tpu.memory_space<hbm>> -> memref<1x4096xf32, #tpu.memory_space<hbm>>
      %dma_wait3A_326 = tpu.memref_squeeze %dma_wait3A_325 : memref<1x4096xf32, #tpu.memory_space<hbm>> -> memref<4096xf32, #tpu.memory_space<hbm>>
      tpu.wait_dma2 semaphore(%arg13 : memref<!tpu.dma_semaphore, #tpu.memory_space<semaphore_mem>>) src(%dma_wait3A_326 : memref<4096xf32, #tpu.memory_space<hbm>>) dst(%dma_wait3A_323 : memref<4096xf32, #tpu.memory_space<vmem>>)
      %add3A_327 = arith.constant 3 : i32
      %add3A_328 = arith.addi %add3A_290, %add3A_327 : i32
      %dma_wait3A_329 = arith.constant 12288 : i32
      %dma_wait3A_330 = tpu.memref_slice %arg9[%dma_wait3A_329] : memref<16384xf32, #tpu.memory_space<vmem>> -> memref<4096xf32, #tpu.memory_space<vmem>>
      %dma_wait3A_331 = arith.constant 0 : i32
      %dma_wait3A_332 = tpu.memref_slice %arg2[%add3A_328, %dma_wait3A_331] : memref<8192x4096xf32, #tpu.memory_space<hbm>> -> memref<1x4096xf32, #tpu.memory_space<hbm>>
      %dma_wait3A_333 = tpu.memref_squeeze %dma_wait3A_332 : memref<1x4096xf32, #tpu.memory_space<hbm>> -> memref<4096xf32, #tpu.memory_space<hbm>>
      %dma_wait3A_334 = arith.constant 12288 : i32
      %dma_wait3A_335 = tpu.memref_slice %arg9[%dma_wait3A_334] : memref<16384xf32, #tpu.memory_space<vmem>> -> memref<4096xf32, #tpu.memory_space<vmem>>
      %dma_wait3A_336 = arith.constant 0 : i32
      %dma_wait3A_337 = tpu.memref_slice %arg2[%add3A_328, %dma_wait3A_336] : memref<8192x4096xf32, #tpu.memory_space<hbm>> -> memref<1x4096xf32, #tpu.memory_space<hbm>>
      %dma_wait3A_338 = tpu.memref_squeeze %dma_wait3A_337 : memref<1x4096xf32, #tpu.memory_space<hbm>> -> memref<4096xf32, #tpu.memory_space<hbm>>
      tpu.wait_dma2 semaphore(%arg13 : memref<!tpu.dma_semaphore, #tpu.memory_space<semaphore_mem>>) src(%dma_wait3A_338 : memref<4096xf32, #tpu.memory_space<hbm>>) dst(%dma_wait3A_335 : memref<4096xf32, #tpu.memory_space<vmem>>)
      %add3A_339 = arith.constant 0 : i32
      %add3A_340 = arith.addi %add3A_287, %add3A_339 : i32
      %dma_start3A_341 = arith.constant 0 : i32
      %dma_start3A_342 = tpu.memref_slice %arg9[%dma_start3A_341] : memref<16384xf32, #tpu.memory_space<vmem>> -> memref<4096xf32, #tpu.memory_space<vmem>>
      %dma_start3A_343 = arith.constant 0 : i32
      %dma_start3A_344 = tpu.memref_slice %arg5[%add3A_340, %dma_start3A_343] : memref<8192x8192xf32, #tpu.memory_space<hbm>> -> memref<1x4096xf32, #tpu.memory_space<hbm>>
      %dma_start3A_345 = tpu.memref_squeeze %dma_start3A_344 : memref<1x4096xf32, #tpu.memory_space<hbm>> -> memref<4096xf32, #tpu.memory_space<hbm>>
      %dma_start3A_346 = arith.constant 0 : i32
      %dma_start3A_347 = tpu.memref_slice %arg5[%add3A_340, %dma_start3A_346] : memref<8192x8192xf32, #tpu.memory_space<hbm>> -> memref<1x4096xf32, #tpu.memory_space<hbm>>
      %dma_start3A_348 = tpu.memref_squeeze %dma_start3A_347 : memref<1x4096xf32, #tpu.memory_space<hbm>> -> memref<4096xf32, #tpu.memory_space<hbm>>
      %dma_start3A_349 = arith.constant 0 : i32
      %dma_start3A_350 = tpu.memref_slice %arg9[%dma_start3A_349] : memref<16384xf32, #tpu.memory_space<vmem>> -> memref<4096xf32, #tpu.memory_space<vmem>>
      tpu.enqueue_dma source(%dma_start3A_350 : memref<4096xf32, #tpu.memory_space<vmem>>) target(%dma_start3A_348 : memref<4096xf32, #tpu.memory_space<hbm>>) target_semaphore(%arg14 : memref<!tpu.dma_semaphore, #tpu.memory_space<semaphore_mem>>)
      %add3A_351 = arith.constant 1 : i32
      %add3A_352 = arith.addi %add3A_287, %add3A_351 : i32
      %dma_start3A_353 = arith.constant 4096 : i32
      %dma_start3A_354 = tpu.memref_slice %arg9[%dma_start3A_353] : memref<16384xf32, #tpu.memory_space<vmem>> -> memref<4096xf32, #tpu.memory_space<vmem>>
      %dma_start3A_355 = arith.constant 0 : i32
      %dma_start3A_356 = tpu.memref_slice %arg5[%add3A_352, %dma_start3A_355] : memref<8192x8192xf32, #tpu.memory_space<hbm>> -> memref<1x4096xf32, #tpu.memory_space<hbm>>
      %dma_start3A_357 = tpu.memref_squeeze %dma_start3A_356 : memref<1x4096xf32, #tpu.memory_space<hbm>> -> memref<4096xf32, #tpu.memory_space<hbm>>
      %dma_start3A_358 = arith.constant 0 : i32
      %dma_start3A_359 = tpu.memref_slice %arg5[%add3A_352, %dma_start3A_358] : memref<8192x8192xf32, #tpu.memory_space<hbm>> -> memref<1x4096xf32, #tpu.memory_space<hbm>>
      %dma_start3A_360 = tpu.memref_squeeze %dma_start3A_359 : memref<1x4096xf32, #tpu.memory_space<hbm>> -> memref<4096xf32, #tpu.memory_space<hbm>>
      %dma_start3A_361 = arith.constant 4096 : i32
      %dma_start3A_362 = tpu.memref_slice %arg9[%dma_start3A_361] : memref<16384xf32, #tpu.memory_space<vmem>> -> memref<4096xf32, #tpu.memory_space<vmem>>
      tpu.enqueue_dma source(%dma_start3A_362 : memref<4096xf32, #tpu.memory_space<vmem>>) target(%dma_start3A_360 : memref<4096xf32, #tpu.memory_space<hbm>>) target_semaphore(%arg14 : memref<!tpu.dma_semaphore, #tpu.memory_space<semaphore_mem>>)
      %add3A_363 = arith.constant 2 : i32
      %add3A_364 = arith.addi %add3A_287, %add3A_363 : i32
      %dma_start3A_365 = arith.constant 8192 : i32
      %dma_start3A_366 = tpu.memref_slice %arg9[%dma_start3A_365] : memref<16384xf32, #tpu.memory_space<vmem>> -> memref<4096xf32, #tpu.memory_space<vmem>>
      %dma_start3A_367 = arith.constant 0 : i32
      %dma_start3A_368 = tpu.memref_slice %arg5[%add3A_364, %dma_start3A_367] : memref<8192x8192xf32, #tpu.memory_space<hbm>> -> memref<1x4096xf32, #tpu.memory_space<hbm>>
      %dma_start3A_369 = tpu.memref_squeeze %dma_start3A_368 : memref<1x4096xf32, #tpu.memory_space<hbm>> -> memref<4096xf32, #tpu.memory_space<hbm>>
      %dma_start3A_370 = arith.constant 0 : i32
      %dma_start3A_371 = tpu.memref_slice %arg5[%add3A_364, %dma_start3A_370] : memref<8192x8192xf32, #tpu.memory_space<hbm>> -> memref<1x4096xf32, #tpu.memory_space<hbm>>
      %dma_start3A_372 = tpu.memref_squeeze %dma_start3A_371 : memref<1x4096xf32, #tpu.memory_space<hbm>> -> memref<4096xf32, #tpu.memory_space<hbm>>
      %dma_start3A_373 = arith.constant 8192 : i32
      %dma_start3A_374 = tpu.memref_slice %arg9[%dma_start3A_373] : memref<16384xf32, #tpu.memory_space<vmem>> -> memref<4096xf32, #tpu.memory_space<vmem>>
      tpu.enqueue_dma source(%dma_start3A_374 : memref<4096xf32, #tpu.memory_space<vmem>>) target(%dma_start3A_372 : memref<4096xf32, #tpu.memory_space<hbm>>) target_semaphore(%arg14 : memref<!tpu.dma_semaphore, #tpu.memory_space<semaphore_mem>>)
      %add3A_375 = arith.constant 3 : i32
      %add3A_376 = arith.addi %add3A_287, %add3A_375 : i32
      %dma_start3A_377 = arith.constant 12288 : i32
      %dma_start3A_378 = tpu.memref_slice %arg9[%dma_start3A_377] : memref<16384xf32, #tpu.memory_space<vmem>> -> memref<4096xf32, #tpu.memory_space<vmem>>
      %dma_start3A_379 = arith.constant 0 : i32
      %dma_start3A_380 = tpu.memref_slice %arg5[%add3A_376, %dma_start3A_379] : memref<8192x8192xf32, #tpu.memory_space<hbm>> -> memref<1x4096xf32, #tpu.memory_space<hbm>>
      %dma_start3A_381 = tpu.memref_squeeze %dma_start3A_380 : memref<1x4096xf32, #tpu.memory_space<hbm>> -> memref<4096xf32, #tpu.memory_space<hbm>>
      %dma_start3A_382 = arith.constant 0 : i32
      %dma_start3A_383 = tpu.memref_slice %arg5[%add3A_376, %dma_start3A_382] : memref<8192x8192xf32, #tpu.memory_space<hbm>> -> memref<1x4096xf32, #tpu.memory_space<hbm>>
      %dma_start3A_384 = tpu.memref_squeeze %dma_start3A_383 : memref<1x4096xf32, #tpu.memory_space<hbm>> -> memref<4096xf32, #tpu.memory_space<hbm>>
      %dma_start3A_385 = arith.constant 12288 : i32
      %dma_start3A_386 = tpu.memref_slice %arg9[%dma_start3A_385] : memref<16384xf32, #tpu.memory_space<vmem>> -> memref<4096xf32, #tpu.memory_space<vmem>>
      tpu.enqueue_dma source(%dma_start3A_386 : memref<4096xf32, #tpu.memory_space<vmem>>) target(%dma_start3A_384 : memref<4096xf32, #tpu.memory_space<hbm>>) target_semaphore(%arg14 : memref<!tpu.dma_semaphore, #tpu.memory_space<semaphore_mem>>)
      %ge3A_387 = arith.constant 2 : i32
      %ge3A_388 = arith.cmpi sge, %add3A_284, %ge3A_387 : i32
      %convert_element_type3A_389 = arith.extui %ge3A_388 : i1 to i32
      %cond3A_390 = arith.constant 0 : i32
      %cond3A_391 = arith.cmpi ne, %convert_element_type3A_389, %cond3A_390 : i32
      scf.if %cond3A_391 {
        %mul3A_449 = arith.constant 4 : i32
        %mul3A_450 = arith.muli %add3A_284, %mul3A_449 : i32
        %add3A_451 = arith.addi %mul3A_2, %mul3A_450 : i32
        %dma_wait3A_452 = arith.constant 4096 : i32
        %dma_wait3A_453 = tpu.memref_slice %arg5[%add3A_451, %dma_wait3A_452] : memref<8192x8192xf32, #tpu.memory_space<hbm>> -> memref<4x4096xf32, #tpu.memory_space<hbm>>
        %dma_wait3A_454 = arith.constant 4096 : i32
        %dma_wait3A_455 = tpu.memref_slice %arg5[%add3A_451, %dma_wait3A_454] : memref<8192x8192xf32, #tpu.memory_space<hbm>> -> memref<4x4096xf32, #tpu.memory_space<hbm>>
        tpu.wait_dma2 semaphore(%arg16 : memref<!tpu.dma_semaphore, #tpu.memory_space<semaphore_mem>>) src(%arg11 : memref<4x4096xf32, #tpu.memory_space<vmem>>) dst(%dma_wait3A_455 : memref<4x4096xf32, #tpu.memory_space<hbm>>)
      } else {
      }
      %parallel_loop3A_392 = arith.constant 0 : i32
      %parallel_loop3A_393 = arith.constant 256 : i32
      %parallel_loop3A_394 = arith.constant 1 : i32
      scf.for %parallel_loop3A_449 = %parallel_loop3A_392 to %parallel_loop3A_393 step %parallel_loop3A_394  : i32 {
        %parallel_loop3A_450 = arith.constant 16 : i32
        %parallel_loop3A_451 = arith.muli %parallel_loop3A_449, %parallel_loop3A_450 : i32
        %parallel_loop3A_452 = arith.index_cast %parallel_loop3A_451 : i32 to index
        %parallel_loop3A_453 = tpu.vector_load %arg6[%parallel_loop3A_452] {strides = array<i32>} : memref<4096xi32, #tpu.memory_space<vmem>>, vector<16xi32>,
        %parallel_loop3A_454 = arith.index_cast %parallel_loop3A_451 : i32 to index
        %parallel_loop3A_455 = tpu.vector_load %arg7[%parallel_loop3A_454] {strides = array<i32>} : memref<4096xf32, #tpu.memory_space<vmem>>, vector<16xf32>,
        %parallel_loop3A_456 = arith.constant 0 : i32
        %parallel_loop3A_457 = tpu.memref_slice %arg9[%parallel_loop3A_456] : memref<16384xf32, #tpu.memory_space<vmem>> -> memref<4096xf32, #tpu.memory_space<vmem>>
        %parallel_loop3A_458 = tpu.vector_load_idx %parallel_loop3A_457[%parallel_loop3A_453] : memref<4096xf32, #tpu.memory_space<vmem>>[vector<16xi32>], vector<16xf32>,
        %parallel_loop3A_459 = arith.mulf %parallel_loop3A_458, %parallel_loop3A_455 : vector<16xf32>
        %parallel_loop3A_460 = arith.constant 0 : i32
        %parallel_loop3A_461 = arith.index_cast %parallel_loop3A_460 : i32 to index
        %parallel_loop3A_462 = arith.index_cast %parallel_loop3A_451 : i32 to index
        %parallel_loop3A_463 = tpu.vector_load %arg11[%parallel_loop3A_461, %parallel_loop3A_462] {strides = array<i32>} : memref<4x4096xf32, #tpu.memory_space<vmem>>, vector<16xf32>,
        tpu.vector_store %arg11[%parallel_loop3A_461, %parallel_loop3A_462], %parallel_loop3A_459 {strides = array<i32>} : memref<4x4096xf32, #tpu.memory_space<vmem>>, vector<16xf32>,
        %parallel_loop3A_464 = arith.constant 4096 : i32
        %parallel_loop3A_465 = tpu.memref_slice %arg9[%parallel_loop3A_464] : memref<16384xf32, #tpu.memory_space<vmem>> -> memref<4096xf32, #tpu.memory_space<vmem>>
        %parallel_loop3A_466 = tpu.vector_load_idx %parallel_loop3A_465[%parallel_loop3A_453] : memref<4096xf32, #tpu.memory_space<vmem>>[vector<16xi32>], vector<16xf32>,
        %parallel_loop3A_467 = arith.mulf %parallel_loop3A_466, %parallel_loop3A_455 : vector<16xf32>
        %parallel_loop3A_468 = arith.constant 1 : i32
        %parallel_loop3A_469 = arith.index_cast %parallel_loop3A_468 : i32 to index
        %parallel_loop3A_470 = arith.index_cast %parallel_loop3A_451 : i32 to index
        %parallel_loop3A_471 = tpu.vector_load %arg11[%parallel_loop3A_469, %parallel_loop3A_470] {strides = array<i32>} : memref<4x4096xf32, #tpu.memory_space<vmem>>, vector<16xf32>,
        tpu.vector_store %arg11[%parallel_loop3A_469, %parallel_loop3A_470], %parallel_loop3A_467 {strides = array<i32>} : memref<4x4096xf32, #tpu.memory_space<vmem>>, vector<16xf32>,
        %parallel_loop3A_472 = arith.constant 8192 : i32
        %parallel_loop3A_473 = tpu.memref_slice %arg9[%parallel_loop3A_472] : memref<16384xf32, #tpu.memory_space<vmem>> -> memref<4096xf32, #tpu.memory_space<vmem>>
        %parallel_loop3A_474 = tpu.vector_load_idx %parallel_loop3A_473[%parallel_loop3A_453] : memref<4096xf32, #tpu.memory_space<vmem>>[vector<16xi32>], vector<16xf32>,
        %parallel_loop3A_475 = arith.mulf %parallel_loop3A_474, %parallel_loop3A_455 : vector<16xf32>
        %parallel_loop3A_476 = arith.constant 2 : i32
        %parallel_loop3A_477 = arith.index_cast %parallel_loop3A_476 : i32 to index
        %parallel_loop3A_478 = arith.index_cast %parallel_loop3A_451 : i32 to index
        %parallel_loop3A_479 = tpu.vector_load %arg11[%parallel_loop3A_477, %parallel_loop3A_478] {strides = array<i32>} : memref<4x4096xf32, #tpu.memory_space<vmem>>, vector<16xf32>,
        tpu.vector_store %arg11[%parallel_loop3A_477, %parallel_loop3A_478], %parallel_loop3A_475 {strides = array<i32>} : memref<4x4096xf32, #tpu.memory_space<vmem>>, vector<16xf32>,
        %parallel_loop3A_480 = arith.constant 12288 : i32
        %parallel_loop3A_481 = tpu.memref_slice %arg9[%parallel_loop3A_480] : memref<16384xf32, #tpu.memory_space<vmem>> -> memref<4096xf32, #tpu.memory_space<vmem>>
        %parallel_loop3A_482 = tpu.vector_load_idx %parallel_loop3A_481[%parallel_loop3A_453] : memref<4096xf32, #tpu.memory_space<vmem>>[vector<16xi32>], vector<16xf32>,
        %parallel_loop3A_483 = arith.mulf %parallel_loop3A_482, %parallel_loop3A_455 : vector<16xf32>
        %parallel_loop3A_484 = arith.constant 3 : i32
        %parallel_loop3A_485 = arith.index_cast %parallel_loop3A_484 : i32 to index
        %parallel_loop3A_486 = arith.index_cast %parallel_loop3A_451 : i32 to index
        %parallel_loop3A_487 = tpu.vector_load %arg11[%parallel_loop3A_485, %parallel_loop3A_486] {strides = array<i32>} : memref<4x4096xf32, #tpu.memory_space<vmem>>, vector<16xf32>,
        tpu.vector_store %arg11[%parallel_loop3A_485, %parallel_loop3A_486], %parallel_loop3A_483 {strides = array<i32>} : memref<4x4096xf32, #tpu.memory_space<vmem>>, vector<16xf32>,
      } {sc.loop_unroll_factor = 8 : i64, sc.parallel_access}
      %mul3A_395 = arith.constant 4 : i32
      %mul3A_396 = arith.muli %add3A_284, %mul3A_395 : i32
      %add3A_397 = arith.addi %mul3A_2, %mul3A_396 : i32
      %dma_start3A_398 = arith.constant 4096 : i32
      %dma_start3A_399 = tpu.memref_slice %arg5[%add3A_397, %dma_start3A_398] : memref<8192x8192xf32, #tpu.memory_space<hbm>> -> memref<4x4096xf32, #tpu.memory_space<hbm>>
      %dma_start3A_400 = arith.constant 4096 : i32
      %dma_start3A_401 = tpu.memref_slice %arg5[%add3A_397, %dma_start3A_400] : memref<8192x8192xf32, #tpu.memory_space<hbm>> -> memref<4x4096xf32, #tpu.memory_space<hbm>>
      tpu.enqueue_dma source(%arg11 : memref<4x4096xf32, #tpu.memory_space<vmem>>) target(%dma_start3A_401 : memref<4x4096xf32, #tpu.memory_space<hbm>>) target_semaphore(%arg16 : memref<!tpu.dma_semaphore, #tpu.memory_space<semaphore_mem>>)
      %dma_wait3A_402 = arith.constant 0 : i32
      %dma_wait3A_403 = tpu.memref_slice %arg9[%dma_wait3A_402] : memref<16384xf32, #tpu.memory_space<vmem>> -> memref<4096xf32, #tpu.memory_space<vmem>>
      %dma_wait3A_404 = arith.constant 0 : i32
      %dma_wait3A_405 = tpu.memref_slice %arg5[%add3A_340, %dma_wait3A_404] : memref<8192x8192xf32, #tpu.memory_space<hbm>> -> memref<1x4096xf32, #tpu.memory_space<hbm>>
      %dma_wait3A_406 = tpu.memref_squeeze %dma_wait3A_405 : memref<1x4096xf32, #tpu.memory_space<hbm>> -> memref<4096xf32, #tpu.memory_space<hbm>>
      %dma_wait3A_407 = arith.constant 0 : i32
      %dma_wait3A_408 = tpu.memref_slice %arg5[%add3A_340, %dma_wait3A_407] : memref<8192x8192xf32, #tpu.memory_space<hbm>> -> memref<1x4096xf32, #tpu.memory_space<hbm>>
      %dma_wait3A_409 = tpu.memref_squeeze %dma_wait3A_408 : memref<1x4096xf32, #tpu.memory_space<hbm>> -> memref<4096xf32, #tpu.memory_space<hbm>>
      %dma_wait3A_410 = arith.constant 0 : i32
      %dma_wait3A_411 = tpu.memref_slice %arg9[%dma_wait3A_410] : memref<16384xf32, #tpu.memory_space<vmem>> -> memref<4096xf32, #tpu.memory_space<vmem>>
      tpu.wait_dma2 semaphore(%arg14 : memref<!tpu.dma_semaphore, #tpu.memory_space<semaphore_mem>>) src(%dma_wait3A_411 : memref<4096xf32, #tpu.memory_space<vmem>>) dst(%dma_wait3A_409 : memref<4096xf32, #tpu.memory_space<hbm>>)
      %dma_wait3A_412 = arith.constant 4096 : i32
      %dma_wait3A_413 = tpu.memref_slice %arg9[%dma_wait3A_412] : memref<16384xf32, #tpu.memory_space<vmem>> -> memref<4096xf32, #tpu.memory_space<vmem>>
      %dma_wait3A_414 = arith.constant 0 : i32
      %dma_wait3A_415 = tpu.memref_slice %arg5[%add3A_352, %dma_wait3A_414] : memref<8192x8192xf32, #tpu.memory_space<hbm>> -> memref<1x4096xf32, #tpu.memory_space<hbm>>
      %dma_wait3A_416 = tpu.memref_squeeze %dma_wait3A_415 : memref<1x4096xf32, #tpu.memory_space<hbm>> -> memref<4096xf32, #tpu.memory_space<hbm>>
      %dma_wait3A_417 = arith.constant 0 : i32
      %dma_wait3A_418 = tpu.memref_slice %arg5[%add3A_352, %dma_wait3A_417] : memref<8192x8192xf32, #tpu.memory_space<hbm>> -> memref<1x4096xf32, #tpu.memory_space<hbm>>
      %dma_wait3A_419 = tpu.memref_squeeze %dma_wait3A_418 : memref<1x4096xf32, #tpu.memory_space<hbm>> -> memref<4096xf32, #tpu.memory_space<hbm>>
      %dma_wait3A_420 = arith.constant 4096 : i32
      %dma_wait3A_421 = tpu.memref_slice %arg9[%dma_wait3A_420] : memref<16384xf32, #tpu.memory_space<vmem>> -> memref<4096xf32, #tpu.memory_space<vmem>>
      tpu.wait_dma2 semaphore(%arg14 : memref<!tpu.dma_semaphore, #tpu.memory_space<semaphore_mem>>) src(%dma_wait3A_421 : memref<4096xf32, #tpu.memory_space<vmem>>) dst(%dma_wait3A_419 : memref<4096xf32, #tpu.memory_space<hbm>>)
      %dma_wait3A_422 = arith.constant 8192 : i32
      %dma_wait3A_423 = tpu.memref_slice %arg9[%dma_wait3A_422] : memref<16384xf32, #tpu.memory_space<vmem>> -> memref<4096xf32, #tpu.memory_space<vmem>>
      %dma_wait3A_424 = arith.constant 0 : i32
      %dma_wait3A_425 = tpu.memref_slice %arg5[%add3A_364, %dma_wait3A_424] : memref<8192x8192xf32, #tpu.memory_space<hbm>> -> memref<1x4096xf32, #tpu.memory_space<hbm>>
      %dma_wait3A_426 = tpu.memref_squeeze %dma_wait3A_425 : memref<1x4096xf32, #tpu.memory_space<hbm>> -> memref<4096xf32, #tpu.memory_space<hbm>>
      %dma_wait3A_427 = arith.constant 0 : i32
      %dma_wait3A_428 = tpu.memref_slice %arg5[%add3A_364, %dma_wait3A_427] : memref<8192x8192xf32, #tpu.memory_space<hbm>> -> memref<1x4096xf32, #tpu.memory_space<hbm>>
      %dma_wait3A_429 = tpu.memref_squeeze %dma_wait3A_428 : memref<1x4096xf32, #tpu.memory_space<hbm>> -> memref<4096xf32, #tpu.memory_space<hbm>>
      %dma_wait3A_430 = arith.constant 8192 : i32
      %dma_wait3A_431 = tpu.memref_slice %arg9[%dma_wait3A_430] : memref<16384xf32, #tpu.memory_space<vmem>> -> memref<4096xf32, #tpu.memory_space<vmem>>
      tpu.wait_dma2 semaphore(%arg14 : memref<!tpu.dma_semaphore, #tpu.memory_space<semaphore_mem>>) src(%dma_wait3A_431 : memref<4096xf32, #tpu.memory_space<vmem>>) dst(%dma_wait3A_429 : memref<4096xf32, #tpu.memory_space<hbm>>)
      %dma_wait3A_432 = arith.constant 12288 : i32
      %dma_wait3A_433 = tpu.memref_slice %arg9[%dma_wait3A_432] : memref<16384xf32, #tpu.memory_space<vmem>> -> memref<4096xf32, #tpu.memory_space<vmem>>
      %dma_wait3A_434 = arith.constant 0 : i32
      %dma_wait3A_435 = tpu.memref_slice %arg5[%add3A_376, %dma_wait3A_434] : memref<8192x8192xf32, #tpu.memory_space<hbm>> -> memref<1x4096xf32, #tpu.memory_space<hbm>>
      %dma_wait3A_436 = tpu.memref_squeeze %dma_wait3A_435 : memref<1x4096xf32, #tpu.memory_space<hbm>> -> memref<4096xf32, #tpu.memory_space<hbm>>
      %dma_wait3A_437 = arith.constant 0 : i32
      %dma_wait3A_438 = tpu.memref_slice %arg5[%add3A_376, %dma_wait3A_437] : memref<8192x8192xf32, #tpu.memory_space<hbm>> -> memref<1x4096xf32, #tpu.memory_space<hbm>>
      %dma_wait3A_439 = tpu.memref_squeeze %dma_wait3A_438 : memref<1x4096xf32, #tpu.memory_space<hbm>> -> memref<4096xf32, #tpu.memory_space<hbm>>
      %dma_wait3A_440 = arith.constant 12288 : i32
      %dma_wait3A_441 = tpu.memref_slice %arg9[%dma_wait3A_440] : memref<16384xf32, #tpu.memory_space<vmem>> -> memref<4096xf32, #tpu.memory_space<vmem>>
      tpu.wait_dma2 semaphore(%arg14 : memref<!tpu.dma_semaphore, #tpu.memory_space<semaphore_mem>>) src(%dma_wait3A_441 : memref<4096xf32, #tpu.memory_space<vmem>>) dst(%dma_wait3A_439 : memref<4096xf32, #tpu.memory_space<hbm>>)
      %add3A_442 = arith.constant 2 : i32
      %add3A_443 = arith.addi %add3A_284, %add3A_442 : i32
      %lt3A_444 = arith.constant 64 : i32
      %lt3A_445 = arith.cmpi slt, %add3A_443, %lt3A_444 : i32
      %convert_element_type3A_446 = arith.extui %lt3A_445 : i1 to i32
      %cond3A_447 = arith.constant 0 : i32
      %cond3A_448 = arith.cmpi ne, %convert_element_type3A_446, %cond3A_447 : i32
      scf.if %cond3A_448 {
        %add3A_449 = arith.constant 2 : i32
        %add3A_450 = arith.addi %add3A_284, %add3A_449 : i32
        %mul3A_451 = arith.constant 4 : i32
        %mul3A_452 = arith.muli %add3A_450, %mul3A_451 : i32
        %add3A_453 = arith.addi %mul3A_2, %mul3A_452 : i32
        %add3A_454 = arith.constant 0 : i32
        %add3A_455 = arith.addi %add3A_453, %add3A_454 : i32
        %dma_start3A_456 = arith.constant 0 : i32
        %dma_start3A_457 = tpu.memref_slice %arg9[%dma_start3A_456] : memref<16384xf32, #tpu.memory_space<vmem>> -> memref<4096xf32, #tpu.memory_space<vmem>>
        %dma_start3A_458 = arith.constant 0 : i32
        %dma_start3A_459 = tpu.memref_slice %arg2[%add3A_455, %dma_start3A_458] : memref<8192x4096xf32, #tpu.memory_space<hbm>> -> memref<1x4096xf32, #tpu.memory_space<hbm>>
        %dma_start3A_460 = tpu.memref_squeeze %dma_start3A_459 : memref<1x4096xf32, #tpu.memory_space<hbm>> -> memref<4096xf32, #tpu.memory_space<hbm>>
        %dma_start3A_461 = arith.constant 0 : i32
        %dma_start3A_462 = tpu.memref_slice %arg9[%dma_start3A_461] : memref<16384xf32, #tpu.memory_space<vmem>> -> memref<4096xf32, #tpu.memory_space<vmem>>
        %dma_start3A_463 = arith.constant 0 : i32
        %dma_start3A_464 = tpu.memref_slice %arg2[%add3A_455, %dma_start3A_463] : memref<8192x4096xf32, #tpu.memory_space<hbm>> -> memref<1x4096xf32, #tpu.memory_space<hbm>>
        %dma_start3A_465 = tpu.memref_squeeze %dma_start3A_464 : memref<1x4096xf32, #tpu.memory_space<hbm>> -> memref<4096xf32, #tpu.memory_space<hbm>>
        tpu.enqueue_dma source(%dma_start3A_465 : memref<4096xf32, #tpu.memory_space<hbm>>) target(%dma_start3A_462 : memref<4096xf32, #tpu.memory_space<vmem>>) target_semaphore(%arg13 : memref<!tpu.dma_semaphore, #tpu.memory_space<semaphore_mem>>)
        %add3A_466 = arith.constant 1 : i32
        %add3A_467 = arith.addi %add3A_453, %add3A_466 : i32
        %dma_start3A_468 = arith.constant 4096 : i32
        %dma_start3A_469 = tpu.memref_slice %arg9[%dma_start3A_468] : memref<16384xf32, #tpu.memory_space<vmem>> -> memref<4096xf32, #tpu.memory_space<vmem>>
        %dma_start3A_470 = arith.constant 0 : i32
        %dma_start3A_471 = tpu.memref_slice %arg2[%add3A_467, %dma_start3A_470] : memref<8192x4096xf32, #tpu.memory_space<hbm>> -> memref<1x4096xf32, #tpu.memory_space<hbm>>
        %dma_start3A_472 = tpu.memref_squeeze %dma_start3A_471 : memref<1x4096xf32, #tpu.memory_space<hbm>> -> memref<4096xf32, #tpu.memory_space<hbm>>
        %dma_start3A_473 = arith.constant 4096 : i32
        %dma_start3A_474 = tpu.memref_slice %arg9[%dma_start3A_473] : memref<16384xf32, #tpu.memory_space<vmem>> -> memref<4096xf32, #tpu.memory_space<vmem>>
        %dma_start3A_475 = arith.constant 0 : i32
        %dma_start3A_476 = tpu.memref_slice %arg2[%add3A_467, %dma_start3A_475] : memref<8192x4096xf32, #tpu.memory_space<hbm>> -> memref<1x4096xf32, #tpu.memory_space<hbm>>
        %dma_start3A_477 = tpu.memref_squeeze %dma_start3A_476 : memref<1x4096xf32, #tpu.memory_space<hbm>> -> memref<4096xf32, #tpu.memory_space<hbm>>
        tpu.enqueue_dma source(%dma_start3A_477 : memref<4096xf32, #tpu.memory_space<hbm>>) target(%dma_start3A_474 : memref<4096xf32, #tpu.memory_space<vmem>>) target_semaphore(%arg13 : memref<!tpu.dma_semaphore, #tpu.memory_space<semaphore_mem>>)
        %add3A_478 = arith.constant 2 : i32
        %add3A_479 = arith.addi %add3A_453, %add3A_478 : i32
        %dma_start3A_480 = arith.constant 8192 : i32
        %dma_start3A_481 = tpu.memref_slice %arg9[%dma_start3A_480] : memref<16384xf32, #tpu.memory_space<vmem>> -> memref<4096xf32, #tpu.memory_space<vmem>>
        %dma_start3A_482 = arith.constant 0 : i32
        %dma_start3A_483 = tpu.memref_slice %arg2[%add3A_479, %dma_start3A_482] : memref<8192x4096xf32, #tpu.memory_space<hbm>> -> memref<1x4096xf32, #tpu.memory_space<hbm>>
        %dma_start3A_484 = tpu.memref_squeeze %dma_start3A_483 : memref<1x4096xf32, #tpu.memory_space<hbm>> -> memref<4096xf32, #tpu.memory_space<hbm>>
        %dma_start3A_485 = arith.constant 8192 : i32
        %dma_start3A_486 = tpu.memref_slice %arg9[%dma_start3A_485] : memref<16384xf32, #tpu.memory_space<vmem>> -> memref<4096xf32, #tpu.memory_space<vmem>>
        %dma_start3A_487 = arith.constant 0 : i32
        %dma_start3A_488 = tpu.memref_slice %arg2[%add3A_479, %dma_start3A_487] : memref<8192x4096xf32, #tpu.memory_space<hbm>> -> memref<1x4096xf32, #tpu.memory_space<hbm>>
        %dma_start3A_489 = tpu.memref_squeeze %dma_start3A_488 : memref<1x4096xf32, #tpu.memory_space<hbm>> -> memref<4096xf32, #tpu.memory_space<hbm>>
        tpu.enqueue_dma source(%dma_start3A_489 : memref<4096xf32, #tpu.memory_space<hbm>>) target(%dma_start3A_486 : memref<4096xf32, #tpu.memory_space<vmem>>) target_semaphore(%arg13 : memref<!tpu.dma_semaphore, #tpu.memory_space<semaphore_mem>>)
        %add3A_490 = arith.constant 3 : i32
        %add3A_491 = arith.addi %add3A_453, %add3A_490 : i32
        %dma_start3A_492 = arith.constant 12288 : i32
        %dma_start3A_493 = tpu.memref_slice %arg9[%dma_start3A_492] : memref<16384xf32, #tpu.memory_space<vmem>> -> memref<4096xf32, #tpu.memory_space<vmem>>
        %dma_start3A_494 = arith.constant 0 : i32
        %dma_start3A_495 = tpu.memref_slice %arg2[%add3A_491, %dma_start3A_494] : memref<8192x4096xf32, #tpu.memory_space<hbm>> -> memref<1x4096xf32, #tpu.memory_space<hbm>>
        %dma_start3A_496 = tpu.memref_squeeze %dma_start3A_495 : memref<1x4096xf32, #tpu.memory_space<hbm>> -> memref<4096xf32, #tpu.memory_space<hbm>>
        %dma_start3A_497 = arith.constant 12288 : i32
        %dma_start3A_498 = tpu.memref_slice %arg9[%dma_start3A_497] : memref<16384xf32, #tpu.memory_space<vmem>> -> memref<4096xf32, #tpu.memory_space<vmem>>
        %dma_start3A_499 = arith.constant 0 : i32
        %dma_start3A_500 = tpu.memref_slice %arg2[%add3A_491, %dma_start3A_499] : memref<8192x4096xf32, #tpu.memory_space<hbm>> -> memref<1x4096xf32, #tpu.memory_space<hbm>>
        %dma_start3A_501 = tpu.memref_squeeze %dma_start3A_500 : memref<1x4096xf32, #tpu.memory_space<hbm>> -> memref<4096xf32, #tpu.memory_space<hbm>>
        tpu.enqueue_dma source(%dma_start3A_501 : memref<4096xf32, #tpu.memory_space<hbm>>) target(%dma_start3A_498 : memref<4096xf32, #tpu.memory_space<vmem>>) target_semaphore(%arg13 : memref<!tpu.dma_semaphore, #tpu.memory_space<semaphore_mem>>)
      } else {
      }
    }
    %scan3A_105 = arith.constant 32 : i32
    %add3A_106 = arith.constant 248 : i32
    %add3A_107 = arith.addi %mul3A_2, %add3A_106 : i32
    %dma_wait3A = arith.constant 4096 : i32
    %dma_wait3A_108 = tpu.memref_slice %arg5[%add3A_107, %dma_wait3A] : memref<8192x8192xf32, #tpu.memory_space<hbm>> -> memref<4x4096xf32, #tpu.memory_space<hbm>>
    %dma_wait3A_109 = arith.constant 4096 : i32
    %dma_wait3A_110 = tpu.memref_slice %arg5[%add3A_107, %dma_wait3A_109] : memref<8192x8192xf32, #tpu.memory_space<hbm>> -> memref<4x4096xf32, #tpu.memory_space<hbm>>
    tpu.wait_dma2 semaphore(%arg15 : memref<!tpu.dma_semaphore, #tpu.memory_space<semaphore_mem>>) src(%arg10 : memref<4x4096xf32, #tpu.memory_space<vmem>>) dst(%dma_wait3A_110 : memref<4x4096xf32, #tpu.memory_space<hbm>>)
    %add3A_111 = arith.constant 252 : i32
    %add3A_112 = arith.addi %mul3A_2, %add3A_111 : i32
    %dma_wait3A_113 = arith.constant 4096 : i32
    %dma_wait3A_114 = tpu.memref_slice %arg5[%add3A_112, %dma_wait3A_113] : memref<8192x8192xf32, #tpu.memory_space<hbm>> -> memref<4x4096xf32, #tpu.memory_space<hbm>>
    %dma_wait3A_115 = arith.constant 4096 : i32
    %dma_wait3A_116 = tpu.memref_slice %arg5[%add3A_112, %dma_wait3A_115] : memref<8192x8192xf32, #tpu.memory_space<hbm>> -> memref<4x4096xf32, #tpu.memory_space<hbm>>
    tpu.wait_dma2 semaphore(%arg16 : memref<!tpu.dma_semaphore, #tpu.memory_space<semaphore_mem>>) src(%arg11 : memref<4x4096xf32, #tpu.memory_space<vmem>>) dst(%dma_wait3A_116 : memref<4x4096xf32, #tpu.memory_space<hbm>>)
    return
  }
}

</mosaic_0001>

<sc_bundles>
// kernel: kernel.3.cloned.1.call-start
scs
__scs_entry_jumppad:
0x0: {  	(pc) =	sbr.rel $0x88, $3  }
0x1: {  	(tag) =	ssettag $0x0;
	lr =	simm.s32 $0x1  }
0x2: {  	[smem:$0x3F9E] =	sst lr;
	_ =	strace $0xD0000000  }
0x3: {  	_ = 	snop  }
0x4: {  	_ = 	snop  }
0x5: {  	_ = 	snop  }
0x6: {  	_ = 	snop  }
0x7: {  	_ = 	snop  }
__scs_overlays_trampoline_lowered:
0x8: {  	[smem:$0x3FAD] =	sst s0  }
0x9: {  	[smem:$0x3FAE] =	sst s1  }
0xa: {  	[smem:$0x3FAF] =	sst s2  }
0xb: {  	[smem:$0x3FB0] =	sst s3  }
0xc: {  	[smem:$0x3FB1] =	sst s4  }
0xd: {  	[smem:$0x3FB2] =	sst s5  }
0xe: {  	[smem:$0x3FB3] =	sst s6  }
0xf: {  	[smem:$0x3FB4] =	sst s7  }
0x10: {  	[smem:$0x3FB5] =	sst s8  }
0x11: {  	[smem:$0x3FB6] =	sst s9;
	s0 =	simm.s32 @!p0 $0x0  }
0x12: {  	s1 =	sld [smem:$0x3F9C];
	s0 =	simm.s32 @p0 $0x1  }
0x13: {  	[smem:$0x3FB7] =	sst s0;
	s0 =	simm.s32 @!p1 $0x0  }
0x14: {  	s2 =	sld [smem:$0x3F9B];
	s0 =	simm.s32 @p1 $0x1  }
0x15: {  	[smem:$0x3FB8] =	sst s0;
	s0 =	simm.s32 @!p2 $0x0  }
0x16: {  	s3 =	sld [smem:$0x3FDB];
	s0 =	simm.s32 @p2 $0x1  }
0x17: {  	s4 =	simm.s32 $0x1BF5;
	[smem:$0x3FBA] =	sst s0  }
0x18: {  	s0 =	sld [smem:$0x3F9D];
	_ =	swait.ge [sflag:s4], $0x0  }
0x19: {  	s7 =	sld [smem:$0x3F9E]  }
0x1a: {  	s8 =	sadd.s32 $0xFFFFE003, lr  }
0x1b: {  	s9 =	sadd.s32 $0xFFFFFEF7, lr;
	s5 =	simm.s32 $0xFFFFFFFF;
	p2 =	slt.u32 s8, $0xFFFFF086  }
0x1c: {  	p1 =	slt.u32 s9, $0xF7A;
	s5 =	simm.s32 @!p2 $0x0  }
0x1d: {  	s5 =	simm.s32 @p1 $0x1;
	p0 =	seq.s32 s7, s2  }
0x1e: {  	s7 =	smul.u32 @!p0 $0xF7A, s2;
	p2 =	seq.s32 @!p0 s5, $0x0  }
0x1f: {  	s9 =	smul.u32 $0xF7A, s1;
	s8 =	simm.s32 @!p0 $0x1BF5;
	p2 =	por !p2, p0  }
0x20: {  	[sflag:s8] =	ssyncset.s32 @!p0 $0xFFFFF086;
	s6 =	sadd.s32 @!p0 s3, s7;
	s7 =	simm.s32 @!p0 $0x108  }
0x21: {  	s3 =	sadd.s32 s3, s9;
	s6 =	sadd.s32 @!p0 $0x88, s6;
	s7 =	simm.s32 @p2 $0x1082  }
0x22: {  	[simem:s7], [sflag:s8] =	dma.local @!p0 [hbm:s6], $0xF7A  }
0x23: {  	s9 =	sor.u32 $0xD0000000, s2;
	s6 =	simm.s32 $0x108;
	_ =	swait.ge @!p0 [sflag:s8], $0x0  }
0x24: {  	s3 =	sadd.s32 $0x88, s3;
	s6 =	simm.s32 @!p1 $0x1082;
	[sflag:s4] =	ssyncset.s32 $0xFFFFF086  }
0x25: {  	[simem:s6], [sflag:s4] =	dma.local [hbm:s3], $0xF7A  }
0x26: {  	[smem:$0x3F9E] =	sst s1;
	(tag) =	ssettag s2;
	_ =	strace s9  }
0x27: {  	s1 =	sld [smem:$0x3FAE]  }
0x28: {  	s2 =	sld [smem:$0x3FAF]  }
0x29: {  	s4 =	sld [smem:$0x3FB1]  }
0x2a: {  	p0 =	seq.s32 s5, $0x0;
	s5 =	sld [smem:$0x3FB2]  }
0x2b: {  	s6 =	sld [smem:$0x3FB3]  }
0x2c: {  	s7 =	sld [smem:$0x3FB4]  }
0x2d: {  	s3 =	simm.s32 $0x108;
	s8 =	sld [smem:$0x3FB5]  }
0x2e: {  	s3 =	simm.s32 @!p0 $0x1082;
	s9 =	sld [smem:$0x3FB6]  }
0x2f: {  	lr =	sadd.s32 s0, s3;
	s0 =	sld [smem:$0x3FAD]  }
0x30: {  	s3 =	sld [smem:$0x3FB0]  }
0x31: {  	[smem:$0x3FB9] =	sst s10  }
0x32: {  	s10 =	sld [smem:$0x3FB7];
	_ =	sdelay $0x3  }
0x33: {  	p0 =	seq.s32 s10, $0x1;
	s10 =	sld [smem:$0x3FB9];
	_ =	sdelay $0x3  }
0x34: {  	[smem:$0x3FB9] =	sst s10  }
0x35: {  	s10 =	sld [smem:$0x3FB8];
	_ =	sdelay $0x3  }
0x36: {  	p1 =	seq.s32 s10, $0x1;
	s10 =	sld [smem:$0x3FB9];
	_ =	sdelay $0x3  }
0x37: {  	[smem:$0x3FB9] =	sst s10  }
0x38: {  	s10 =	sld [smem:$0x3FBA]  }
0x39: {  	_ = 	snop;
	(pc) =	sbr.ind lr, $3  }
0x3a: {  	_ = 	snop  }
0x3b: {  	_ = 	snop  }
0x3c: {  	p2 =	seq.s32 s10, $0x1;
	s10 =	sld [smem:$0x3FB9]  }
0x3d: {  	_ =	shalt  }
0x3e: {  	_ =	shalt  }
0x3f: {  	_ =	shalt  }
0x40: {  	_ =	shalt  }
0x41: {  	_ =	shalt  }
0x42: {  	_ =	shalt  }
0x43: {  	_ =	shalt  }
0x44: {  	_ =	shalt  }
0x45: {  	_ =	shalt  }
0x46: {  	_ =	shalt  }
0x47: {  	_ =	shalt  }
0x48: {  	_ =	shalt  }
0x49: {  	_ =	shalt  }
0x4a: {  	_ =	shalt  }
0x4b: {  	_ =	shalt  }
0x4c: {  	_ =	shalt  }
0x4d: {  	_ =	shalt  }
0x4e: {  	_ =	shalt  }
0x4f: {  	_ =	shalt  }
0x50: {  	_ =	shalt  }
0x51: {  	_ =	shalt  }
0x52: {  	_ =	shalt  }
0x53: {  	_ =	shalt  }
0x54: {  	_ =	shalt  }
0x55: {  	_ =	shalt  }
0x56: {  	_ =	shalt  }
0x57: {  	_ =	shalt  }
0x58: {  	_ =	shalt  }
0x59: {  	_ =	shalt  }
0x5a: {  	_ =	shalt  }
0x5b: {  	_ =	shalt  }
0x5c: {  	_ =	shalt  }
0x5d: {  	_ =	shalt  }
0x5e: {  	_ =	shalt  }
0x5f: {  	_ =	shalt  }
0x60: {  	_ =	shalt  }
0x61: {  	_ =	shalt  }
0x62: {  	_ =	shalt  }
0x63: {  	_ =	shalt  }
0x64: {  	_ =	shalt  }
0x65: {  	_ =	shalt  }
0x66: {  	_ =	shalt  }
0x67: {  	_ =	shalt  }
0x68: {  	_ =	shalt  }
0x69: {  	_ =	shalt  }
0x6a: {  	_ =	shalt  }
0x6b: {  	_ =	shalt  }
0x6c: {  	_ =	shalt  }
0x6d: {  	_ =	shalt  }
0x6e: {  	_ =	shalt  }
0x6f: {  	_ =	shalt  }
0x70: {  	_ =	shalt  }
0x71: {  	_ =	shalt  }
0x72: {  	_ =	shalt  }
0x73: {  	_ =	shalt  }
0x74: {  	_ =	shalt  }
0x75: {  	_ =	shalt  }
0x76: {  	_ =	shalt  }
0x77: {  	_ =	shalt  }
0x78: {  	_ =	shalt  }
0x79: {  	_ =	shalt  }
0x7a: {  	_ =	shalt  }
0x7b: {  	_ =	shalt  }
0x7c: {  	_ =	shalt  }
0x7d: {  	_ =	shalt  }
0x7e: {  	_ =	shalt  }
0x7f: {  	_ =	shalt  }
0x80: {  	_ =	shalt  }
0x81: {  	_ =	shalt  }
0x82: {  	_ =	shalt  }
0x83: {  	_ =	shalt  }
0x84: {  	_ =	shalt  }
0x85: {  	_ =	shalt  }
0x86: {  	_ =	shalt  }
0x87: {  	_ =	shalt  }
.Lfunc_end0:
.L_simem_size_0:
called_computation_lowered:
.L_overlay_start_0:
0x88: {  	s2 =	sld [smem:$0x3FD9]  }
0x89: {  	s3 =	sld [smem:$0x3FFE];
	_ =	sdelay $0x1  }
0x8a: {  	s1 =	srdreg.scid  }
0x8b: {  	s0 =	sand.u32 $0x1, s1  }
0x8c: {  	s18 =	sshll.u32 s0, $0xA;
	s2 =	sadd.s32 s3, s2  }
0x8d: {  	s2 =	sadd.s32 s2, s18  }
0x8e: {  	[smem:$0x3FC5] =	sst s2  }
0x8f: {  	_ = 	snop  }
0x90: {  	s2 =	sld [smem:$0x3FC9]  }
0x91: {  	s19 =	sld [smem:$0x3FC8]  }
0x92: {  	s4 =	sld [smem:$0x3FC7]  }
0x93: {  	s5 =	sld [smem:$0x3FD0];
	(tm) =	ssettm $0x1  }
0x94: {  	s6 =	sld [smem:$0x3FFB];
	_ =	sdelay $0x3  }
0x95: {  	_ =	strace s6  }
0x96: {  	s6 =	sld [smem:$0x3FFC];
	_ =	sdelay $0x3  }
0x97: {  	_ =	strace s6  }
0x98: {  	s6 =	sld [smem:$0x3FFD];
	_ =	sdelay $0x3  }
0x99: {  	_ =	strace s6  }
0x9a: {  	_ =	strace $0x8FFFFFFF  }
0x9b: {  	s20 =	sld [smem:$0x3FDB];
	_ =	sdelay $0x1  }
0x9c: {  	s7 =	simm.s32 $_scs_section_size  }
0x9d: {  	s8 =	simm.s32 $_size__tile_overlayer_lowered;
	s9 =	simm.s32 $_tile_overlayer_lowered  }
0x9e: {  	s23 =	simm.s32 $0x1BFF;
	s22 =	sshll.u32 s9, $0x1;
	s6 =	sadd.s32 s7, s20  }
0x9f: {  	s10 =	simm.s32 $0x0;
	s21 =	sshll.u32 s8, $0x1;
	s8 =	sadd.s32 s22, s6  }
0xa0: {  	[timem:s10], [sflag:s23] =	dma.local [hbm:s8], s21  }
0xa1: {  	_ =	swait.ge [sflag:s23], s21  }
0xa2: {  	s7 =	ssub.s32 $0x0, s21;
	[sflag:s23] =	ssyncset.done $0x0  }
0xa3: {  	[sflag:s23] =	ssyncadd.s32 s7;
	_ =	sdelay $0x1  }
0xa4: {  	s24 =	simm.s32 $0x1B8B  }
0xa5: {  	_ =	swait.ge [sflag:s24], $0x1  }
0xa6: {  	[sflag:s24] =	ssyncset.done $0x0  }
0xa7: {  	s25 =	simm.s32 $0x1B8E;
	[sflag:s24] =	ssyncadd.s32 $0xFFFFFFFF  }
0xa8: {  	s26 =	simm.s32 $execute0_lowered;
	[smem:$0x3FD2] =	sst s25  }
0xa9: {  	s7 =	sshll.u32 s26, $0x1;
	_ =	strace $0x80000046;
	[dreg:$0x1] =	wrdreg $0xFFFFFFFF  }
0xaa: {  	s28 =	simm.s32 $_size_execute0_lowered;
	s6 =	sadd.s32 s6, s7;
	[dreg:$0x0] =	wrdreg $0x0  }
0xab: {  	s7 =	sshll.u32 s28, $0x1;
	[dreg:$0x2] =	wrdreg s6  }
0xac: {  	[dreg:$0x3] =	wrdreg s7  }
0xad: {  	[dreg:$0x4] =	wrdreg $0xC0  }
0xae: {  	_ =	task [dreg:s10], $0x5FFFF  }
0xaf: {  	[dreg:$0x1] =	wrdreg $0xFFFFFFFF  }
0xb0: {  	[dreg:$0x0] =	wrdreg $0x60  }
0xb1: {  	[dreg:$0x2] =	wrdreg s2  }
0xb2: {  	[dreg:$0x3] =	wrdreg s19  }
0xb3: {  	[dreg:$0x4] =	wrdreg s4  }
0xb4: {  	[dreg:$0x5] =	wrdreg s5  }
0xb5: {  	[dreg:$0x6] =	wrdreg $0x9  }
0xb6: {  	_ =	task.clear_ibuf [dreg:s10], $0x7FFFF;
	_ =	strace $0x90000046  }
0xb7: {  	s29 =	simm.s32 $0x9;
	_ =	strace $0x80000048  }
0xb8: {  	_ =	swait.ge [sflag:s29], $0x1  }
0xb9: {  	[sflag:s29] =	ssyncadd.s32 $0xFFFFFFFF  }
0xba: {  	_ =	strace $0x90000048  }
0xbb: {  	_ =	sfence  }
0xbc: {  	s30 =	sld [smem:$0x0];
	_ =	sdelay $0x2  }
0xbd: {  	s31 =	sshll.u32 s1, $0xD;
	s1 =	sshrl.u32 s1, $0x2  }
0xbe: {  	s3 =	sand.u32 $0x4000, s31;
	s1 =	sadd.s32 s1, s30  }
0xbf: {  	s0 =	sor.u32 s3, s0;
	s1 =	sshll.u32 s1, $0x11  }
0xc0: {  	s0 =	sor.u32 s1, s0  }
0xc1: {  	s0 =	sadd.s32 $0x8F2B, s0  }
0xc2: {  	[sflag:s0] =	ssyncadd.remote.s32 $0x1  }
0xc3: {  	_ =	sfence.sel $0xFFFF  }
0xc4: {  	[dreg:$0x0] =	wrdreg $0xFFFFFFFF;
	(pc) =	sbr.abs _section_cstart, $3  }
0xc5: {  	[dreg:$0x1] =	wrdreg $0xFFFFFFFF  }
0xc6: {  	_ =	task.clear_ibuf [dreg:s10], $0x2FFFF;
	_ =	strace $0x9FFFFFFF  }
0xc7: {  	(tm) =	ssettm $0x7FFFFFFF  }
tec
execute0_lowered:
.L_overlay_start_1:
0x0: {  	(tag) =	ssettag $0x1  }
0x1: {  	s4 =	rddreg [dreg:$0x0]  }
0x2: {  	s5 =	rddreg [dreg:$0x3];
	s1 =	simm.s32 $0x0  }
0x3: {  	s0 =	srdreg.scid;
	s2 =	stileid.u32;
	s9 =	simm.s32 $0x2000  }
0x4: {  	s10 =	simm.s32 $0x3000;
	s12 =	simm.s32 $0x4000;
	s11 =	simm.s32 $0x0  }
0x5: {  	[smem:$0x7FF] =	sst s1;
	s0 =	sand.u32 $0x1, s0;
	s2 =	sshll.u32 s2, $0x9  }
0x6: {  	s17 =	sadd.s32 $0x10, s4;
	s18 =	sadd.s32 $0x20, s4;
	s19 =	sadd.s32 $0x30, s4  }
0x7: {  	s20 =	sadd.s32 $0x40, s4;
	_ =	strace $0x80000047;
	[dreg:$0x5] =	wrdreg s17  }
0x8: {  	s22 =	sadd.s32 $0x50, s4;
	s23 =	sadd.s32 $0x60, s4;
	[dreg:$0x8] =	wrdreg s18  }
0x9: {  	s25 =	sadd.s32 $0x10, s5;
	s26 =	sadd.s32 $0x20, s5;
	[dreg:$0xa] =	wrdreg s20  }
0xa: {  	s28 =	sadd.s32 $0x1000, s5;
	s30 =	sadd.s32 $0x40, s5;
	[dreg:$0xd] =	wrdreg s22  }
0xb: {  	s14 =	ssub.s32 $0x2, s0;
	s0 =	sshll.u32 s0, $0x8;
	[dreg:$0xf] =	wrdreg s23  }
0xc: {  	s31 =	sadd.s32 $0x50, s5;
	[dreg:$0x13] =	wrdreg s25;
	s2 =	sor.u32 s0, s2  }
0xd: {  	s24 =	smov.u32 s19;
	[dreg:$0x14] =	wrdreg s26;
	s16 =	sshll.u32 s2, $0x9  }
0xe: {  	s26 =	sadd.s32 $0x30, s5;
	s3 =	sshrl.u32 s14, $0x1;
	s6 =	sadd.s32 s4, s16  }
0xf: {  	s15 =	ssub.s32 s14, s3;
	s3 =	sadd.s32 s16, s17;
	[dreg:$0x6] =	wrdreg s6  }
0x10: {  	s25 =	simm.s32 $0x1;
	s21 =	sadd.s32 s16, s20;
	[dreg:$0x7] =	wrdreg s3  }
0x11: {  	s29 =	sor.u32 $0x8, s2;
	s4 =	sadd.s32 $0x70, s4;
	[dreg:$0xc] =	wrdreg s21  }
0x12: {  	s0 =	smax.u32 s15, $0x1;
	s15 =	simm.s32 $0x5000;
	[dreg:$0x10] =	wrdreg s4  }
0x13: {  	s3 =	sadd.s32 s16, s18;
	s1 =	sadd.s32 s16, s4;
	[dreg:$0x15] =	wrdreg s0  }
0x14: {  	s0 =	sadd.s32 $0x60, s5;
	s5 =	sadd.s32 $0x70, s5;
	s6 =	simm.s32 $0x400  }
0x15: {  	s18 =	simm.s32 $0x7000;
	s21 =	simm.s32 $0x8000;
	[dreg:$0x9] =	wrdreg s3  }
.Ltmp0:
0x16: {  	s3 =	sadd.s32 s16, s19;
	[dreg:$0x12] =	wrdreg s1;
	(pc) =	sbr.rel .LBB2_1-.Ltmp0, $4  }
0x17: {  	s4 =	simm.s32 $0x3;
	[dreg:$0xb] =	wrdreg s3;
	s3 =	sadd.s32 s16, s22  }
0x18: {  	s1 =	simm.s32 $0x2;
	s22 =	simm.s32 $0x9000;
	[dreg:$0xe] =	wrdreg s3  }
0x19: {  	s3 =	sadd.s32 s16, s23;
	s23 =	smov.u32 s2;
	s16 =	simm.s32 $0x6000  }
0x1a: {  	s2 =	simm.s32 $0x200;
	[dreg:$0x11] =	wrdreg s3;
	s3 =	simm.s32 $0x80  }
.LBB2_8:
0x1b: {  	s7 =	simm.s32 $0x4  }
0x1c: {  	_ =	swait.ge [sflag:s7], $0x4000  }
0x1d: {  	[sflag:s7] =	ssyncset.done $0x0  }
0x1e: {  	s8 =	simm.s32 $0x5;
	[sflag:s7] =	ssyncadd.s32 $0xFFFFC000  }
0x1f: {  	_ =	swait.ge [sflag:s8], $0x4000  }
0x20: {  	s11 =	rddreg [dreg:$0x16]  }
0x21: {  	s20 =	rddreg [dreg:$0x15];
	s11 =	sadd.s32 $0x1, s11  }
0x22: {  	p0 =	sne.s32 s11, s20  }
.Ltmp1:
0x23: {  	_ = 	snop;
	(pc) =	sbr.rel @!p0 .LBB2_9-.Ltmp1, $3  }
0x24: {  	_ =	sdelay $0x1  }
0x25: {  	[sflag:s8] =	ssyncset.done $0x0  }
0x26: {  	[sflag:s8] =	ssyncadd.s32 $0xFFFFC000  }
.LBB2_1:
0x27: {  	[dreg:$0x16] =	wrdreg s11  }
0x28: {  	s7 =	rddreg [dreg:$0x2];
	s8 =	simm.s32 $0x0;
	s17 =	simm.s32 $0x6  }
0x29: {  	[tilespmem:s8], [sflag:$0x6] =	stream.linear.gather [hbm4b:s7+s8], $0x1000, $0x38;
	[tilespmem:$0x12000] =	vst v63  }
0x2a: {  	_ =	swait.ge [sflag:s17], $0x1000  }
0x2b: {  	[sflag:s17] =	ssyncset.done $0x0  }
0x2c: {  	[sflag:s17] =	ssyncadd.s32 $0xFFFFF000  }
0x2d: {  	s13 =	simm.s32 $0x1000;
	s19 =	rddreg [dreg:$0x1]  }
0x2e: {  	[tilespmem:s13], [sflag:$0x6] =	stream.linear.gather [hbm4b:s19+s8], $0x1000, $0x38;
	[tilespmem:$0x12000] =	vst v63  }
0x2f: {  	_ =	swait.ge [sflag:s17], $0x1000  }
0x30: {  	[sflag:s17] =	ssyncset.done $0x0  }
0x31: {  	s20 =	rddreg [dreg:$0x6];
	[sflag:s17] =	ssyncadd.s32 $0xFFFFF000  }
0x32: {  	[tilespmem:s9], [sflag:$0x1] =	stream.strided.gather [hbm4b:s20+s3], $0x1000, s6, s3, $0x38;
	[tilespmem:$0x12000] =	vst v63  }
0x33: {  	s8 =	rddreg [dreg:$0x7]  }
0x34: {  	[tilespmem:s10], [sflag:$0x1] =	stream.strided.gather [hbm4b:s8+s3], $0x1000, s6, s3, $0x38;
	[tilespmem:$0x12000] =	vst v63  }
0x35: {  	s11 =	rddreg [dreg:$0x9]  }
0x36: {  	[tilespmem:s12], [sflag:$0x1] =	stream.strided.gather [hbm4b:s11+s3], $0x1000, s6, s3, $0x38;
	[tilespmem:$0x12000] =	vst v63  }
0x37: {  	s13 =	rddreg [dreg:$0xb]  }
0x38: {  	[tilespmem:s15], [sflag:$0x1] =	stream.strided.gather [hbm4b:s13+s3], $0x1000, s6, s3, $0x38;
	[tilespmem:$0x12000] =	vst v63  }
0x39: {  	s14 =	rddreg [dreg:$0xc]  }
0x3a: {  	[tilespmem:s16], [sflag:$0x2] =	stream.strided.gather [hbm4b:s14+s3], $0x1000, s6, s3, $0x38;
	[tilespmem:$0x12000] =	vst v63  }
0x3b: {  	s17 =	rddreg [dreg:$0xe]  }
0x3c: {  	[tilespmem:s18], [sflag:$0x2] =	stream.strided.gather [hbm4b:s17+s3], $0x1000, s6, s3, $0x38;
	[tilespmem:$0x12000] =	vst v63  }
0x3d: {  	s19 =	rddreg [dreg:$0x11]  }
0x3e: {  	[tilespmem:s21], [sflag:$0x2] =	stream.strided.gather [hbm4b:s19+s3], $0x1000, s6, s3, $0x38;
	[tilespmem:$0x12000] =	vst v63  }
0x3f: {  	s20 =	rddreg [dreg:$0x12];
	s14 =	simm.s32 $0x0  }
0x40: {  	[tilespmem:s22], [sflag:$0x2] =	stream.strided.gather [hbm4b:s20+s3], $0x1000, s6, s3, $0x38;
	[tilespmem:$0x12000] =	vst v63  }
.LBB2_2:
0x41: {  	_ =	swait.ge [sflag:s25], $0x1000  }
0x42: {  	[sflag:s25] =	ssyncset.done $0x0  }
0x43: {  	[sflag:s25] =	ssyncadd.s32 $0xFFFFF000  }
0x44: {  	_ =	swait.ge [sflag:s25], $0x1000  }
0x45: {  	[sflag:s25] =	ssyncset.done $0x0  }
0x46: {  	[sflag:s25] =	ssyncadd.s32 $0xFFFFF000  }
0x47: {  	_ =	swait.ge [sflag:s25], $0x1000  }
0x48: {  	[sflag:s25] =	ssyncset.done $0x0  }
0x49: {  	[sflag:s25] =	ssyncadd.s32 $0xFFFFF000  }
0x4a: {  	_ =	swait.ge [sflag:s25], $0x1000  }
0x4b: {  	s17 =	sshll.u32 s14, $0x3;
	[sflag:s25] =	ssyncset.done $0x0  }
0x4c: {  	s7 =	sor.u32 s23, s17;
	[sflag:s25] =	ssyncadd.s32 $0xFFFFF000  }
0x4d: {  	s19 =	sshll.u32 s7, $0xA;
	s8 =	rddreg [dreg:$0x3]  }
0x4e: {  	s11 =	rddreg [dreg:$0x13];
	s7 =	sadd.s32 s8, s19  }
0x4f: {  	[hbm4b:s7+s3] =	stream.strided.scatter [tilespmem:s9], [sflag:$0x3], $0x1000, s6, s3, $0x38;
	[tilespmem:$0x12000] =	vst v63  }
0x50: {  	s13 =	rddreg [dreg:$0x14];
	s7 =	sadd.s32 s19, s11  }
0x51: {  	[hbm4b:s7+s3] =	stream.strided.scatter [tilespmem:s10], [sflag:$0x3], $0x1000, s6, s3, $0x38;
	[tilespmem:$0x12000] =	vst v63  }
0x52: {  	p0 =	seq.s32 s14, $0x0;
	s7 =	sadd.s32 s19, s13  }
0x53: {  	[hbm4b:s7+s3] =	stream.strided.scatter [tilespmem:s12], [sflag:$0x3], $0x1000, s6, s3, $0x38;
	[tilespmem:$0x12000] =	vst v63  }
0x54: {  	s20 =	sadd.s32 s19, s26;
	s7 =	simm.s32 @!p0 $0x4  }
0x55: {  	[hbm4b:s20+s3] =	stream.strided.scatter [tilespmem:s15], [sflag:$0x3], $0x1000, s6, s3, $0x38;
	[tilespmem:$0x12000] =	vst v63  }
0x56: {  	_ =	swait.ge @!p0 [sflag:s7], $0x4000  }
0x57: {  	[sflag:s7] =	ssyncset.done @!p0 $0x0  }
0x58: {  	s8 =	simm.s32 $0x40;
	[sflag:s7] =	ssyncadd.s32 @!p0 $0xFFFFC000  }
0x59: {  	v2 =	vld [tilespmem:s8+$0x30]  }
0x5a: {  	v3 =	vld [tilespmem:s8+$0xFFFFFFD0]  }
0x5b: {  	v4 =	vld [tilespmem:s8+$0xFFFFFFE0]  }
0x5c: {  	v17 =	vld [tilespmem:s8+$0xFFFFFFF0]  }
0x5d: {  	v15 =	vld [tilespmem:s8+$0x0]  }
0x5e: {  	v14 =	vld [tilespmem:s8+$0x10]  }
0x5f: {  	v13 =	vld [tilespmem:s8+$0x20]  }
0x60: {  	s11 =	simm.s32 $0x1040;
	v5 =	vld [tilespmem:s8+$0xFFFFFFC0]  }
0x61: {  	v6 =	vld [tilespmem:s11+$0x30]  }
0x62: {  	v19 =	vld [tilespmem:s11+$0xFFFFFFC0]  }
0x63: {  	v20 =	vld [tilespmem:s11+$0xFFFFFFD0]  }
0x64: {  	v21 =	vld [tilespmem:s11+$0xFFFFFFE0]  }
0x65: {  	v18 =	vld [tilespmem:s11+$0xFFFFFFF0]  }
0x66: {  	s13 =	simm.s32 $0xC0;
	v16 =	vld [tilespmem:s11+$0x0]  }
0x67: {  	v26 =	vld [tilespmem:s13+$0x30]  }
0x68: {  	v27 =	vld [tilespmem:s13+$0xFFFFFFD0]  }
0x69: {  	v28 =	vld [tilespmem:s13+$0xFFFFFFE0]  }
0x6a: {  	v29 =	vld [tilespmem:s13+$0xFFFFFFC0];
	s8 =	simm.s32 $0x10C0  }
0x6b: {  	v30 =	vld [tilespmem:s8+$0x30]  }
0x6c: {  	v0 =	vld.idx.msk [tilespmem:v2+s9+$0x0], $0xffff  }
0x6d: {  	v7 =	vld.idx.msk [tilespmem:v3+s9+$0x0], $0xffff  }
0x6e: {  	v8 =	vld.idx.msk [tilespmem:v4+s9+$0x0], $0xffff  }
0x6f: {  	v9 =	vld.idx.msk [tilespmem:v17+s9+$0x0], $0xffff  }
0x70: {  	v10 =	vld.idx.msk [tilespmem:v15+s9+$0x0], $0xffff  }
0x71: {  	v1 =	vld.idx.msk [tilespmem:v5+s9+$0x0], $0xffff  }
0x72: {  	v11 =	vld.idx.msk [tilespmem:v14+s9+$0x0], $0xffff  }
0x73: {  	v12 =	vld.idx.msk [tilespmem:v13+s9+$0x0], $0xffff  }
0x74: {  	v31 =	vld.idx.msk [tilespmem:v27+s9+$0x0], $0xffff  }
0x75: {  	v32 =	vld.idx.msk [tilespmem:v28+s9+$0x0], $0xffff;
	v0 =	vmul.f32 v0, v6  }
0x76: {  	s20 =	simm.s32 $0xA100;
	v23 =	vmul.f32 v1, v19;
	v1 =	vld [tilespmem:s11+$0x10]  }
0x77: {  	v7 =	vmul.f32 v7, v20;
	[tilespmem:s20+$0xFFFFFF70] =	vst v0;
	v0 =	vld [tilespmem:s11+$0x20]  }
0x78: {  	v8 =	vmul.f32 v8, v21;
	[tilespmem:s20+$0xFFFFFF00] =	vst v23;
	v22 =	vld.idx.msk [tilespmem:v2+s10+$0x0], $0xffff  }
0x79: {  	[tilespmem:s20+$0xFFFFFF10] =	vst v7;
	v7 =	vmul.f32 v9, v18;
	v23 =	vld.idx.msk [tilespmem:v5+s10+$0x0], $0xffff  }
0x7a: {  	[tilespmem:s20+$0xFFFFFF20] =	vst v8;
	v8 =	vmul.f32 v10, v16;
	v9 =	vld.idx.msk [tilespmem:v3+s10+$0x0], $0xffff  }
0x7b: {  	v10 =	vld.idx.msk [tilespmem:v4+s10+$0x0], $0xffff;
	[tilespmem:s20+$0xFFFFFF30] =	vst v7  }
0x7c: {  	[tilespmem:s20+$0xFFFFFF40] =	vst v8;
	v7 =	vmul.f32 v12, v0;
	v12 =	vld.idx.msk [tilespmem:v17+s10+$0x0], $0xffff  }
0x7d: {  	v8 =	vld.idx.msk [tilespmem:v15+s10+$0x0], $0xffff;
	v22 =	vmul.f32 v22, v6  }
0x7e: {  	v36 =	vld.idx.msk [tilespmem:v29+s9+$0x0], $0xffff;
	v11 =	vmul.f32 v11, v1;
	[tilespmem:s20+$0xFFFFFF60] =	vst v7  }
0x7f: {  	v7 =	vmul.f32 v9, v20;
	[tilespmem:s20+$0xFFFFFFF0] =	vst v22;
	v9 =	vld.idx.msk [tilespmem:v13+s10+$0x0], $0xffff  }
0x80: {  	[tilespmem:s20+$0xFFFFFF50] =	vst v11;
	v10 =	vmul.f32 v10, v21;
	v22 =	vld.idx.msk [tilespmem:v2+s12+$0x0], $0xffff  }
0x81: {  	v11 =	vmul.f32 v23, v19;
	v23 =	vld.idx.msk [tilespmem:v14+s10+$0x0], $0xffff;
	[tilespmem:s20+$0xFFFFFF90] =	vst v7;
	v7 =	vmul.f32 v12, v18  }
0x82: {  	[tilespmem:s20+$0xFFFFFFA0] =	vst v10;
	v8 =	vmul.f32 v8, v16;
	v12 =	vld.idx.msk [tilespmem:v3+s12+$0x0], $0xffff  }
0x83: {  	v10 =	vld.idx.msk [tilespmem:v4+s12+$0x0], $0xffff;
	[tilespmem:s20+$0xFFFFFFB0] =	vst v7  }
0x84: {  	[tilespmem:s20+$0xFFFFFFC0] =	vst v8;
	v7 =	vld.idx.msk [tilespmem:v17+s12+$0x0], $0xffff;
	v8 =	vmul.f32 v9, v0  }
0x85: {  	[tilespmem:s20+$0xFFFFFF80] =	vst v11;
	v9 =	vld.idx.msk [tilespmem:v15+s12+$0x0], $0xffff;
	v11 =	vmul.f32 v22, v6  }
0x86: {  	v22 =	vld.idx.msk [tilespmem:v5+s12+$0x0], $0xffff;
	[tilespmem:s20+$0xFFFFFFE0] =	vst v8  }
0x87: {  	v8 =	vmul.f32 v12, v20;
	[tilespmem:s20+$0x70] =	vst v11;
	v12 =	vld.idx.msk [tilespmem:v13+s12+$0x0], $0xffff  }
0x88: {  	v11 =	vld.idx.msk [tilespmem:v2+s15+$0x0], $0xffff  }
0x89: {  	v2 =	vmul.f32 v23, v1;
	[tilespmem:s20+$0x10] =	vst v8;
	v8 =	vld.idx.msk [tilespmem:v26+s9+$0x0], $0xffff  }
0x8a: {  	v24 =	vld.idx.msk [tilespmem:v3+s15+$0x0], $0xffff;
	v7 =	vmul.f32 v7, v18  }
0x8b: {  	v3 =	vld [tilespmem:s13+$0x10];
	[tilespmem:s20+$0xFFFFFFD0] =	vst v2;
	v2 =	vmul.f32 v22, v19  }
0x8c: {  	v22 =	vld.idx.msk [tilespmem:v14+s12+$0x0], $0xffff;
	[tilespmem:s20+$0x30] =	vst v7  }
0x8d: {  	[tilespmem:s20+$0x0] =	vst v2;
	v2 =	vmul.f32 v10, v21;
	v10 =	vld [tilespmem:s8+$0xFFFFFFC0]  }
0x8e: {  	v17 =	vld.idx.msk [tilespmem:v17+s15+$0x0], $0xffff  }
0x8f: {  	v23 =	vld.idx.msk [tilespmem:v5+s15+$0x0], $0xffff  }
0x90: {  	v5 =	vld [tilespmem:s13+$0xFFFFFFF0]  }
0x91: {  	[tilespmem:s20+$0x20] =	vst v2;
	v2 =	vld [tilespmem:s13+$0x20]  }
0x92: {  	v6 =	vmul.f32 v11, v6;
	v25 =	vld.idx.msk [tilespmem:v4+s15+$0x0], $0xffff  }
0x93: {  	v8 =	vmul.f32 v8, v30;
	v4 =	vld [tilespmem:s13+$0x0]  }
0x94: {  	s7 =	simm.s32 $0xA300;
	v11 =	vmul.f32 v24, v20;
	[tilespmem:s20+$0xF0] =	vst v6;
	v6 =	vmul.f32 v9, v16;
	v9 =	vld [tilespmem:s8+$0xFFFFFFD0]  }
0x95: {  	[tilespmem:s7+$0xFFFFFF70] =	vst v8;
	v8 =	vld [tilespmem:s8+$0xFFFFFFE0]  }
0x96: {  	v38 =	vld.idx.msk [tilespmem:v26+s10+$0x0], $0xffff;
	v7 =	vmul.f32 v22, v1;
	[tilespmem:s20+$0x90] =	vst v11  }
0x97: {  	v11 =	vld [tilespmem:s8+$0x10];
	[tilespmem:s20+$0x40] =	vst v6;
	v6 =	vmul.f32 v12, v0  }
0x98: {  	v35 =	vld.idx.msk [tilespmem:v3+s9+$0x0], $0xffff;
	[tilespmem:s20+$0x50] =	vst v7;
	v7 =	vmul.f32 v23, v19  }
0x99: {  	[tilespmem:s20+$0x60] =	vst v6;
	v6 =	vld [tilespmem:s8+$0xFFFFFFF0]  }
0x9a: {  	[tilespmem:s20+$0x80] =	vst v7;
	v12 =	vmul.f32 v25, v21;
	v7 =	vld [tilespmem:s8+$0x0]  }
0x9b: {  	v21 =	vmul.f32 v31, v9;
	v33 =	vld.idx.msk [tilespmem:v5+s9+$0x0], $0xffff  }
0x9c: {  	v19 =	vmul.f32 v38, v30;
	v37 =	vld.idx.msk [tilespmem:v2+s9+$0x0], $0xffff;
	[tilespmem:s20+$0xA0] =	vst v12  }
0x9d: {  	v20 =	vmul.f32 v36, v10;
	[tilespmem:s7+$0xFFFFFF10] =	vst v21;
	v34 =	vld.idx.msk [tilespmem:v4+s9+$0x0], $0xffff  }
0x9e: {  	v12 =	vld [tilespmem:s8+$0x20];
	[tilespmem:s7+$0xFFFFFFF0] =	vst v19;
	v19 =	vmul.f32 v32, v8  }
0x9f: {  	v17 =	vmul.f32 v17, v18;
	[tilespmem:s7+$0xFFFFFF00] =	vst v20;
	v58 =	vld.idx.msk [tilespmem:v27+s10+$0x0], $0xffff  }
0xa0: {  	v20 =	vld.idx.msk [tilespmem:v26+s12+$0x0], $0xffff;
	[tilespmem:s7+$0xFFFFFF20] =	vst v19;
	v19 =	vmul.f32 v35, v11  }
0xa1: {  	[tilespmem:s20+$0xB0] =	vst v17;
	v23 =	vld.idx.msk [tilespmem:v29+s10+$0x0], $0xffff;
	v22 =	vmul.f32 v33, v6  }
0xa2: {  	v15 =	vld.idx.msk [tilespmem:v15+s15+$0x0], $0xffff;
	[tilespmem:s7+$0xFFFFFF50] =	vst v19;
	v21 =	vmul.f32 v34, v7  }
0xa3: {  	v59 =	vld.idx.msk [tilespmem:v28+s10+$0x0], $0xffff;
	[tilespmem:s7+$0xFFFFFF30] =	vst v22;
	v22 =	vmul.f32 v37, v12  }
0xa4: {  	v17 =	vmul.f32 v58, v9;
	v60 =	vld.idx.msk [tilespmem:v5+s10+$0x0], $0xffff;
	[tilespmem:s7+$0xFFFFFF40] =	vst v21  }
0xa5: {  	v18 =	vld.idx.msk [tilespmem:v3+s10+$0x0], $0xffff;
	v19 =	vmul.f32 v20, v30;
	[tilespmem:s7+$0xFFFFFF60] =	vst v22  }
0xa6: {  	v20 =	vmul.f32 v23, v10;
	[tilespmem:s7+$0xFFFFFF90] =	vst v17;
	v21 =	vld.idx.msk [tilespmem:v4+s10+$0x0], $0xffff  }
0xa7: {  	v22 =	vld.idx.msk [tilespmem:v2+s10+$0x0], $0xffff;
	[tilespmem:s7+$0x70] =	vst v19  }
0xa8: {  	[tilespmem:s7+$0xFFFFFF80] =	vst v20;
	v19 =	vmul.f32 v59, v8;
	v20 =	vld.idx.msk [tilespmem:v26+s15+$0x0], $0xffff  }
0xa9: {  	v61 =	vld.idx.msk [tilespmem:v27+s12+$0x0], $0xffff;
	v17 =	vmul.f32 v60, v6  }
0xaa: {  	v15 =	vmul.f32 v15, v16;
	v23 =	vld.idx.msk [tilespmem:v29+s12+$0x0], $0xffff;
	[tilespmem:s7+$0xFFFFFFA0] =	vst v19  }
0xab: {  	v19 =	vmul.f32 v21, v7;
	v21 =	vld.idx.msk [tilespmem:v28+s12+$0x0], $0xffff;
	[tilespmem:s7+$0xFFFFFFB0] =	vst v17  }
0xac: {  	[tilespmem:s20+$0xC0] =	vst v15;
	v17 =	vmul.f32 v18, v11;
	v62 =	vld.idx.msk [tilespmem:v5+s12+$0x0], $0xffff  }
0xad: {  	v18 =	vmul.f32 v22, v12;
	v16 =	vmul.f32 v20, v30;
	v20 =	vld.idx.msk [tilespmem:v13+s15+$0x0], $0xffff;
	[tilespmem:s7+$0xFFFFFFC0] =	vst v19  }
0xae: {  	v15 =	vmul.f32 v61, v9;
	[tilespmem:s7+$0xFFFFFFD0] =	vst v17;
	v22 =	vld.idx.msk [tilespmem:v4+s12+$0x0], $0xffff  }
0xaf: {  	[tilespmem:s7+$0xFFFFFFE0] =	vst v18;
	v63 =	vld.idx.msk [tilespmem:v3+s12+$0x0], $0xffff  }
0xb0: {  	v17 =	vmul.f32 v23, v10;
	[tilespmem:s7+$0x10] =	vst v15;
	v18 =	vld.idx.msk [tilespmem:v2+s12+$0x0], $0xffff  }
0xb1: {  	v19 =	vld.idx.msk [tilespmem:v14+s15+$0x0], $0xffff;
	[tilespmem:s7+$0xF0] =	vst v16;
	v14 =	vmul.f32 v21, v8  }
0xb2: {  	[tilespmem:s7+$0x0] =	vst v17;
	v17 =	vld.idx.msk [tilespmem:v27+s15+$0x0], $0xffff;
	v21 =	vmul.f32 v62, v6  }
0xb3: {  	v16 =	vld.idx.msk [tilespmem:v29+s15+$0x0], $0xffff;
	[tilespmem:s7+$0x20] =	vst v14;
	v13 =	vmul.f32 v22, v7  }
0xb4: {  	s11 =	simm.s32 $0x8;
	s13 =	simm.s32 $0x140;
	v15 =	vld.idx.msk [tilespmem:v28+s15+$0x0], $0xffff;
	[tilespmem:s7+$0x30] =	vst v21;
	v14 =	vmul.f32 v63, v11  }
.LBB2_3:
0xb5: {  	v21 =	vld [tilespmem:s13+$0x30];
	s11 =	sadd.s32 $0x8, s11;
	[tilespmem:s7+$0x40] =	vst v13;
	v18 =	vmul.f32 v18, v12  }
0xb6: {  	v19 =	vmul.f32 v19, v1;
	v1 =	vmov v11;
	v13 =	vld [tilespmem:s13+$0xFFFFFFD0];
	p1 =	slt.u32 s11, $0xF8;
	[tilespmem:s7+$0x50] =	vst v14  }
0xb7: {  	v11 =	vmul.f32 v20, v0;
	v0 =	vmov v12;
	v14 =	vld [tilespmem:s13+$0xFFFFFFE0];
	[tilespmem:s7+$0x60] =	vst v18  }
0xb8: {  	v10 =	vmul.f32 v16, v10;
	v18 =	vld [tilespmem:s13+$0xFFFFFFF0];
	[tilespmem:s20+$0xD0] =	vst v19  }
0xb9: {  	v9 =	vmul.f32 v17, v9;
	v19 =	vld [tilespmem:s13+$0x0];
	[tilespmem:s20+$0xE0] =	vst v11;
	s20 =	smov.u32 s7  }
0xba: {  	v8 =	vmul.f32 v15, v8;
	v17 =	vld [tilespmem:s13+$0x10];
	[tilespmem:s7+$0x80] =	vst v10  }
0xbb: {  	v15 =	vld [tilespmem:s13+$0x20];
	[tilespmem:s7+$0x90] =	vst v9  }
0xbc: {  	v16 =	vld [tilespmem:s13+$0xFFFFFFC0];
	[tilespmem:s7+$0xA0] =	vst v8  }
0xbd: {  	s8 =	sadd.s32 $0x80, s8;
	v8 =	vld.idx.msk [tilespmem:v21+s9+$0x0], $0xffff  }
0xbe: {  	v20 =	vld [tilespmem:s8+$0x30]  }
0xbf: {  	v12 =	vld.idx.msk [tilespmem:v13+s9+$0x0], $0xffff  }
0xc0: {  	v22 =	vld.idx.msk [tilespmem:v14+s9+$0x0], $0xffff  }
0xc1: {  	v23 =	vld.idx.msk [tilespmem:v18+s9+$0x0], $0xffff  }
0xc2: {  	v24 =	vld.idx.msk [tilespmem:v19+s9+$0x0], $0xffff  }
0xc3: {  	v25 =	vld.idx.msk [tilespmem:v17+s9+$0x0], $0xffff;
	v8 =	vmul.f32 v8, v20  }
0xc4: {  	s7 =	sadd.s32 $0x200, s7;
	v11 =	vld.idx.msk [tilespmem:v16+s9+$0x0], $0xffff  }
0xc5: {  	v26 =	vld.idx.msk [tilespmem:v15+s9+$0x0], $0xffff;
	[tilespmem:s7+$0xFFFFFF70] =	vst v8  }
0xc6: {  	v27 =	vld.idx.msk [tilespmem:v21+s10+$0x0], $0xffff  }
0xc7: {  	v10 =	vld [tilespmem:s8+$0xFFFFFFC0]  }
0xc8: {  	v9 =	vld [tilespmem:s8+$0xFFFFFFD0]  }
0xc9: {  	v8 =	vld [tilespmem:s8+$0xFFFFFFE0]  }
0xca: {  	v28 =	vld [tilespmem:s8+$0xFFFFFFF0]  }
0xcb: {  	v29 =	vld [tilespmem:s8+$0x0]  }
0xcc: {  	v27 =	vmul.f32 v27, v20;
	v30 =	vmul.f32 v11, v10;
	v11 =	vld [tilespmem:s8+$0x10]  }
0xcd: {  	v31 =	vmul.f32 v12, v9;
	v12 =	vld [tilespmem:s8+$0x20]  }
0xce: {  	v22 =	vmul.f32 v22, v8;
	[tilespmem:s7+$0xFFFFFFF0] =	vst v27;
	v27 =	vld.idx.msk [tilespmem:v5+s15+$0x0], $0xffff;
	v5 =	vmov v18  }
0xcf: {  	[tilespmem:s7+$0xFFFFFF00] =	vst v30;
	v18 =	vmul.f32 v23, v28;
	v23 =	vld.idx.msk [tilespmem:v21+s12+$0x0], $0xffff  }
0xd0: {  	v30 =	vld.idx.msk [tilespmem:v16+s10+$0x0], $0xffff;
	[tilespmem:s7+$0xFFFFFF10] =	vst v31;
	v24 =	vmul.f32 v24, v29  }
0xd1: {  	v31 =	vld.idx.msk [tilespmem:v13+s10+$0x0], $0xffff;
	[tilespmem:s7+$0xFFFFFF20] =	vst v22;
	v22 =	vmul.f32 v25, v11  }
0xd2: {  	v25 =	vld.idx.msk [tilespmem:v14+s10+$0x0], $0xffff;
	[tilespmem:s7+$0xFFFFFF30] =	vst v18;
	v18 =	vmul.f32 v26, v12  }
0xd3: {  	v26 =	vld.idx.msk [tilespmem:v5+s10+$0x0], $0xffff;
	[tilespmem:s7+$0xFFFFFF40] =	vst v24  }
0xd4: {  	v24 =	vld.idx.msk [tilespmem:v19+s10+$0x0], $0xffff;
	[tilespmem:s7+$0xFFFFFF50] =	vst v22;
	v22 =	vmul.f32 v27, v6;
	v6 =	vmov v28  }
0xd5: {  	v27 =	vld.idx.msk [tilespmem:v17+s10+$0x0], $0xffff;
	[tilespmem:s7+$0xFFFFFF60] =	vst v18;
	v18 =	vmul.f32 v23, v20  }
0xd6: {  	v23 =	vmul.f32 v30, v10;
	v28 =	vld.idx.msk [tilespmem:v15+s10+$0x0], $0xffff;
	[tilespmem:s20+$0xB0] =	vst v22  }
0xd7: {  	v22 =	vmul.f32 v31, v9;
	[tilespmem:s7+$0x70] =	vst v18;
	v18 =	vld.idx.msk [tilespmem:v4+s15+$0x0], $0xffff;
	v4 =	vmov v19  }
0xd8: {  	v19 =	vmul.f32 v25, v8;
	[tilespmem:s7+$0xFFFFFF80] =	vst v23;
	v21 =	vld.idx.msk [tilespmem:v21+s15+$0x0], $0xffff  }
0xd9: {  	v23 =	vld.idx.msk [tilespmem:v16+s12+$0x0], $0xffff;
	[tilespmem:s7+$0xFFFFFF90] =	vst v22;
	v22 =	vmul.f32 v26, v6  }
0xda: {  	v25 =	vld.idx.msk [tilespmem:v13+s12+$0x0], $0xffff;
	[tilespmem:s7+$0xFFFFFFA0] =	vst v19;
	v19 =	vmul.f32 v24, v29  }
0xdb: {  	v24 =	vld.idx.msk [tilespmem:v14+s12+$0x0], $0xffff;
	[tilespmem:s7+$0xFFFFFFB0] =	vst v22;
	v22 =	vmul.f32 v27, v11  }
0xdc: {  	v26 =	vld.idx.msk [tilespmem:v5+s12+$0x0], $0xffff;
	[tilespmem:s7+$0xFFFFFFC0] =	vst v19;
	v19 =	vmul.f32 v28, v12  }
0xdd: {  	v27 =	vld.idx.msk [tilespmem:v4+s12+$0x0], $0xffff;
	[tilespmem:s7+$0xFFFFFFD0] =	vst v22;
	v22 =	vmul.f32 v18, v7;
	v7 =	vmov v29  }
0xde: {  	v28 =	vld.idx.msk [tilespmem:v17+s12+$0x0], $0xffff;
	[tilespmem:s7+$0xFFFFFFE0] =	vst v19;
	v19 =	vmul.f32 v21, v20  }
0xdf: {  	v20 =	vmul.f32 v23, v10;
	v18 =	vld.idx.msk [tilespmem:v15+s12+$0x0], $0xffff;
	[tilespmem:s20+$0xC0] =	vst v22  }
.Ltmp2:
0xe0: {  	v21 =	vmul.f32 v25, v9;
	[tilespmem:s7+$0xF0] =	vst v19;
	v19 =	vld.idx.msk [tilespmem:v3+s15+$0x0], $0xffff;
	v3 =	vmov v17;
	(pc) =	sbr.rel @p1 .LBB2_3-.Ltmp2, $4  }
0xe1: {  	v22 =	vmul.f32 v24, v8;
	[tilespmem:s7+$0x0] =	vst v20;
	v20 =	vld.idx.msk [tilespmem:v2+s15+$0x0], $0xffff;
	v2 =	vmov v15  }
0xe2: {  	v16 =	vld.idx.msk [tilespmem:v16+s15+$0x0], $0xffff;
	[tilespmem:s7+$0x10] =	vst v21;
	v21 =	vmul.f32 v26, v6  }
0xe3: {  	v17 =	vld.idx.msk [tilespmem:v13+s15+$0x0], $0xffff;
	[tilespmem:s7+$0x20] =	vst v22;
	v13 =	vmul.f32 v27, v7  }
0xe4: {  	s13 =	sadd.s32 $0x80, s13;
	v15 =	vld.idx.msk [tilespmem:v14+s15+$0x0], $0xffff;
	[tilespmem:s7+$0x30] =	vst v21;
	v14 =	vmul.f32 v28, v11  }
0xe5: {  	_ =	sdelay $0x2  }
0xe6: {  	[tilespmem:s7+$0x40] =	vst v13;
	v13 =	vmul.f32 v18, v12  }
0xe7: {  	v1 =	vmul.f32 v19, v1;
	v5 =	vld.idx.msk [tilespmem:v5+s15+$0x0], $0xffff;
	[tilespmem:s7+$0x50] =	vst v14  }
0xe8: {  	v0 =	vmul.f32 v20, v0;
	v4 =	vld.idx.msk [tilespmem:v4+s15+$0x0], $0xffff;
	[tilespmem:s7+$0x60] =	vst v13  }
0xe9: {  	v10 =	vmul.f32 v16, v10;
	[tilespmem:s20+$0xD0] =	vst v1;
	v1 =	vld.idx.msk [tilespmem:v3+s15+$0x0], $0xffff  }
0xea: {  	v3 =	vmul.f32 v17, v9;
	[tilespmem:s20+$0xE0] =	vst v0;
	v0 =	vld.idx.msk [tilespmem:v2+s15+$0x0], $0xffff  }
0xeb: {  	[tilespmem:s7+$0x80] =	vst v10;
	v2 =	vmul.f32 v15, v8  }
0xec: {  	[tilespmem:s7+$0x90] =	vst v3;
	v3 =	vmul.f32 v5, v6  }
0xed: {  	[tilespmem:s7+$0xA0] =	vst v2;
	v2 =	vmul.f32 v4, v7  }
0xee: {  	[tilespmem:s7+$0xB0] =	vst v3;
	v1 =	vmul.f32 v1, v11  }
0xef: {  	[tilespmem:s7+$0xC0] =	vst v2;
	v0 =	vmul.f32 v0, v12  }
0xf0: {  	[tilespmem:s7+$0xD0] =	vst v1  }
0xf1: {  	s8 =	simm.s32 $0xA000;
	s20 =	sadd.s32 s19, s28;
	[tilespmem:s7+$0xE0] =	vst v0  }
0xf2: {  	[hbm4b:s20+s2] =	stream.strided.scatter [tilespmem:s8], [sflag:$0x4], $0x4000, s6, s2, $0x38;
	[tilespmem:$0x12000] =	vst v63  }
0xf3: {  	_ =	swait.ge [sflag:s4], $0x1000  }
0xf4: {  	[sflag:s4] =	ssyncset.done $0x0  }
0xf5: {  	[sflag:s4] =	ssyncadd.s32 $0xFFFFF000  }
0xf6: {  	_ =	swait.ge [sflag:s4], $0x1000  }
0xf7: {  	[sflag:s4] =	ssyncset.done $0x0  }
0xf8: {  	[sflag:s4] =	ssyncadd.s32 $0xFFFFF000  }
0xf9: {  	_ =	swait.ge [sflag:s4], $0x1000  }
0xfa: {  	[sflag:s4] =	ssyncset.done $0x0  }
0xfb: {  	[sflag:s4] =	ssyncadd.s32 $0xFFFFF000  }
0xfc: {  	_ =	swait.ge [sflag:s4], $0x1000  }
0xfd: {  	p1 =	seq.s32 s14, $0x1F;
	[sflag:s4] =	ssyncset.done $0x0  }
0xfe: {  	s7 =	sadd.s32 @!p1 s17, s29;
	[sflag:s4] =	ssyncadd.s32 $0xFFFFF000  }
0xff: {  	s11 =	simm.s32 @!p1 $0x80;
	s7 =	sshll.u32 @!p1 s7, $0x9;
	s8 =	rddreg [dreg:$0x0]  }
0x100: {  	s13 =	simm.s32 @!p1 $0x400;
	s20 =	simm.s32 @!p1 $0x2000;
	s8 =	sadd.s32 @!p1 s8, s7  }
0x101: {  	[tilespmem:s20], [sflag:$0x1] =	stream.strided.gather @!p1 [hbm4b:s8+s11], $0x1000, s13, s11, $0x38;
	[tilespmem:$0x12000] =	vst v63  }
0x102: {  	s8 =	rddreg [dreg:$0x5]  }
0x103: {  	s20 =	simm.s32 @!p1 $0x3000;
	s8 =	sadd.s32 @!p1 s7, s8  }
0x104: {  	[tilespmem:s20], [sflag:$0x1] =	stream.strided.gather @!p1 [hbm4b:s8+s11], $0x1000, s13, s11, $0x38;
	[tilespmem:$0x12000] =	vst v63  }
0x105: {  	s8 =	rddreg [dreg:$0x8]  }
0x106: {  	s20 =	simm.s32 @!p1 $0x4000;
	s8 =	sadd.s32 @!p1 s7, s8  }
0x107: {  	[tilespmem:s20], [sflag:$0x1] =	stream.strided.gather @!p1 [hbm4b:s8+s11], $0x1000, s13, s11, $0x38;
	[tilespmem:$0x12000] =	vst v63  }
0x108: {  	s7 =	sadd.s32 @!p1 s7, s24;
	s8 =	simm.s32 @!p1 $0x5000  }
0x109: {  	[tilespmem:s8], [sflag:$0x1] =	stream.strided.gather @!p1 [hbm4b:s7+s11], $0x1000, s13, s11, $0x38;
	[tilespmem:$0x12000] =	vst v63  }
0x10a: {  	_ =	swait.ge [sflag:s1], $0x1000  }
0x10b: {  	[sflag:s1] =	ssyncset.done $0x0  }
0x10c: {  	[sflag:s1] =	ssyncadd.s32 $0xFFFFF000  }
0x10d: {  	_ =	swait.ge [sflag:s1], $0x1000  }
0x10e: {  	[sflag:s1] =	ssyncset.done $0x0  }
0x10f: {  	[sflag:s1] =	ssyncadd.s32 $0xFFFFF000  }
0x110: {  	_ =	swait.ge [sflag:s1], $0x1000  }
0x111: {  	[sflag:s1] =	ssyncset.done $0x0  }
0x112: {  	[sflag:s1] =	ssyncadd.s32 $0xFFFFF000  }
0x113: {  	_ =	swait.ge [sflag:s1], $0x1000  }
0x114: {  	[sflag:s1] =	ssyncset.done $0x0  }
0x115: {  	s8 =	sadd.s32 s19, s30;
	[sflag:s1] =	ssyncadd.s32 $0xFFFFF000  }
0x116: {  	[hbm4b:s8+s3] =	stream.strided.scatter [tilespmem:s16], [sflag:$0x3], $0x1000, s6, s3, $0x38;
	[tilespmem:$0x12000] =	vst v63  }
0x117: {  	s11 =	sadd.s32 s19, s31  }
0x118: {  	[hbm4b:s11+s3] =	stream.strided.scatter [tilespmem:s18], [sflag:$0x3], $0x1000, s6, s3, $0x38;
	[tilespmem:$0x12000] =	vst v63  }
0x119: {  	s13 =	sadd.s32 s19, s0  }
0x11a: {  	[hbm4b:s13+s3] =	stream.strided.scatter [tilespmem:s21], [sflag:$0x3], $0x1000, s6, s3, $0x38;
	[tilespmem:$0x12000] =	vst v63  }
0x11b: {  	s20 =	sadd.s32 s19, s5;
	s7 =	simm.s32 @!p0 $0x5  }
0x11c: {  	[hbm4b:s20+s3] =	stream.strided.scatter [tilespmem:s22], [sflag:$0x3], $0x1000, s6, s3, $0x38;
	[tilespmem:$0x12000] =	vst v63  }
0x11d: {  	_ =	swait.ge @!p0 [sflag:s7], $0x4000  }
0x11e: {  	[sflag:s7] =	ssyncset.done @!p0 $0x0  }
0x11f: {  	s8 =	simm.s32 $0x40;
	[sflag:s7] =	ssyncadd.s32 @!p0 $0xFFFFC000  }
0x120: {  	v2 =	vld [tilespmem:s8+$0x30]  }
0x121: {  	v3 =	vld [tilespmem:s8+$0xFFFFFFD0]  }
0x122: {  	v4 =	vld [tilespmem:s8+$0xFFFFFFE0]  }
0x123: {  	v17 =	vld [tilespmem:s8+$0xFFFFFFF0]  }
0x124: {  	v15 =	vld [tilespmem:s8+$0x0]  }
0x125: {  	v14 =	vld [tilespmem:s8+$0x10]  }
0x126: {  	v13 =	vld [tilespmem:s8+$0x20]  }
0x127: {  	s11 =	simm.s32 $0x1040;
	v5 =	vld [tilespmem:s8+$0xFFFFFFC0]  }
0x128: {  	v6 =	vld [tilespmem:s11+$0x30]  }
0x129: {  	v19 =	vld [tilespmem:s11+$0xFFFFFFC0]  }
0x12a: {  	v20 =	vld [tilespmem:s11+$0xFFFFFFD0]  }
0x12b: {  	v21 =	vld [tilespmem:s11+$0xFFFFFFE0]  }
0x12c: {  	v18 =	vld [tilespmem:s11+$0xFFFFFFF0]  }
0x12d: {  	s13 =	simm.s32 $0xC0;
	v16 =	vld [tilespmem:s11+$0x0]  }
0x12e: {  	v26 =	vld [tilespmem:s13+$0x30]  }
0x12f: {  	v27 =	vld [tilespmem:s13+$0xFFFFFFD0]  }
0x130: {  	v28 =	vld [tilespmem:s13+$0xFFFFFFE0]  }
0x131: {  	v29 =	vld [tilespmem:s13+$0xFFFFFFC0];
	s8 =	simm.s32 $0x10C0  }
0x132: {  	v30 =	vld [tilespmem:s8+$0x30]  }
0x133: {  	v0 =	vld.idx.msk [tilespmem:v2+s16+$0x0], $0xffff  }
0x134: {  	v7 =	vld.idx.msk [tilespmem:v3+s16+$0x0], $0xffff  }
0x135: {  	v8 =	vld.idx.msk [tilespmem:v4+s16+$0x0], $0xffff  }
0x136: {  	v9 =	vld.idx.msk [tilespmem:v17+s16+$0x0], $0xffff  }
0x137: {  	v10 =	vld.idx.msk [tilespmem:v15+s16+$0x0], $0xffff  }
0x138: {  	v1 =	vld.idx.msk [tilespmem:v5+s16+$0x0], $0xffff  }
0x139: {  	v11 =	vld.idx.msk [tilespmem:v14+s16+$0x0], $0xffff  }
0x13a: {  	v12 =	vld.idx.msk [tilespmem:v13+s16+$0x0], $0xffff  }
0x13b: {  	v31 =	vld.idx.msk [tilespmem:v27+s16+$0x0], $0xffff  }
0x13c: {  	v32 =	vld.idx.msk [tilespmem:v28+s16+$0x0], $0xffff;
	v0 =	vmul.f32 v0, v6  }
0x13d: {  	s20 =	simm.s32 $0xE100;
	v23 =	vmul.f32 v1, v19;
	v1 =	vld [tilespmem:s11+$0x10]  }
0x13e: {  	v7 =	vmul.f32 v7, v20;
	[tilespmem:s20+$0xFFFFFF70] =	vst v0;
	v0 =	vld [tilespmem:s11+$0x20]  }
0x13f: {  	v8 =	vmul.f32 v8, v21;
	[tilespmem:s20+$0xFFFFFF00] =	vst v23;
	v22 =	vld.idx.msk [tilespmem:v2+s18+$0x0], $0xffff  }
0x140: {  	[tilespmem:s20+$0xFFFFFF10] =	vst v7;
	v7 =	vmul.f32 v9, v18;
	v23 =	vld.idx.msk [tilespmem:v5+s18+$0x0], $0xffff  }
0x141: {  	[tilespmem:s20+$0xFFFFFF20] =	vst v8;
	v8 =	vmul.f32 v10, v16;
	v9 =	vld.idx.msk [tilespmem:v3+s18+$0x0], $0xffff  }
0x142: {  	v10 =	vld.idx.msk [tilespmem:v4+s18+$0x0], $0xffff;
	[tilespmem:s20+$0xFFFFFF30] =	vst v7  }
0x143: {  	[tilespmem:s20+$0xFFFFFF40] =	vst v8;
	v7 =	vmul.f32 v12, v0;
	v12 =	vld.idx.msk [tilespmem:v17+s18+$0x0], $0xffff  }
0x144: {  	v8 =	vld.idx.msk [tilespmem:v15+s18+$0x0], $0xffff;
	v22 =	vmul.f32 v22, v6  }
0x145: {  	v36 =	vld.idx.msk [tilespmem:v29+s16+$0x0], $0xffff;
	v11 =	vmul.f32 v11, v1;
	[tilespmem:s20+$0xFFFFFF60] =	vst v7  }
0x146: {  	v7 =	vmul.f32 v9, v20;
	[tilespmem:s20+$0xFFFFFFF0] =	vst v22;
	v9 =	vld.idx.msk [tilespmem:v13+s18+$0x0], $0xffff  }
0x147: {  	[tilespmem:s20+$0xFFFFFF50] =	vst v11;
	v10 =	vmul.f32 v10, v21;
	v22 =	vld.idx.msk [tilespmem:v2+s21+$0x0], $0xffff  }
0x148: {  	v11 =	vmul.f32 v23, v19;
	v23 =	vld.idx.msk [tilespmem:v14+s18+$0x0], $0xffff;
	[tilespmem:s20+$0xFFFFFF90] =	vst v7;
	v7 =	vmul.f32 v12, v18  }
0x149: {  	[tilespmem:s20+$0xFFFFFFA0] =	vst v10;
	v8 =	vmul.f32 v8, v16;
	v12 =	vld.idx.msk [tilespmem:v3+s21+$0x0], $0xffff  }
0x14a: {  	v10 =	vld.idx.msk [tilespmem:v4+s21+$0x0], $0xffff;
	[tilespmem:s20+$0xFFFFFFB0] =	vst v7  }
0x14b: {  	[tilespmem:s20+$0xFFFFFFC0] =	vst v8;
	v7 =	vld.idx.msk [tilespmem:v17+s21+$0x0], $0xffff;
	v8 =	vmul.f32 v9, v0  }
0x14c: {  	[tilespmem:s20+$0xFFFFFF80] =	vst v11;
	v9 =	vld.idx.msk [tilespmem:v15+s21+$0x0], $0xffff;
	v11 =	vmul.f32 v22, v6  }
0x14d: {  	v22 =	vld.idx.msk [tilespmem:v5+s21+$0x0], $0xffff;
	[tilespmem:s20+$0xFFFFFFE0] =	vst v8  }
0x14e: {  	v8 =	vmul.f32 v12, v20;
	[tilespmem:s20+$0x70] =	vst v11;
	v12 =	vld.idx.msk [tilespmem:v13+s21+$0x0], $0xffff  }
0x14f: {  	v11 =	vld.idx.msk [tilespmem:v2+s22+$0x0], $0xffff  }
0x150: {  	v2 =	vmul.f32 v23, v1;
	[tilespmem:s20+$0x10] =	vst v8;
	v8 =	vld.idx.msk [tilespmem:v26+s16+$0x0], $0xffff  }
0x151: {  	v24 =	vld.idx.msk [tilespmem:v3+s22+$0x0], $0xffff;
	v7 =	vmul.f32 v7, v18  }
0x152: {  	v3 =	vld [tilespmem:s13+$0x10];
	[tilespmem:s20+$0xFFFFFFD0] =	vst v2;
	v2 =	vmul.f32 v22, v19  }
0x153: {  	v22 =	vld.idx.msk [tilespmem:v14+s21+$0x0], $0xffff;
	[tilespmem:s20+$0x30] =	vst v7  }
0x154: {  	[tilespmem:s20+$0x0] =	vst v2;
	v2 =	vmul.f32 v10, v21;
	v10 =	vld [tilespmem:s8+$0xFFFFFFC0]  }
0x155: {  	v17 =	vld.idx.msk [tilespmem:v17+s22+$0x0], $0xffff  }
0x156: {  	v23 =	vld.idx.msk [tilespmem:v5+s22+$0x0], $0xffff  }
0x157: {  	v5 =	vld [tilespmem:s13+$0xFFFFFFF0]  }
0x158: {  	[tilespmem:s20+$0x20] =	vst v2;
	v2 =	vld [tilespmem:s13+$0x20]  }
0x159: {  	v6 =	vmul.f32 v11, v6;
	v25 =	vld.idx.msk [tilespmem:v4+s22+$0x0], $0xffff  }
0x15a: {  	v8 =	vmul.f32 v8, v30;
	v4 =	vld [tilespmem:s13+$0x0]  }
0x15b: {  	s7 =	simm.s32 $0xE300;
	v11 =	vmul.f32 v24, v20;
	[tilespmem:s20+$0xF0] =	vst v6;
	v6 =	vmul.f32 v9, v16;
	v9 =	vld [tilespmem:s8+$0xFFFFFFD0]  }
0x15c: {  	[tilespmem:s7+$0xFFFFFF70] =	vst v8;
	v8 =	vld [tilespmem:s8+$0xFFFFFFE0]  }
0x15d: {  	v38 =	vld.idx.msk [tilespmem:v26+s18+$0x0], $0xffff;
	v7 =	vmul.f32 v22, v1;
	[tilespmem:s20+$0x90] =	vst v11  }
0x15e: {  	v11 =	vld [tilespmem:s8+$0x10];
	[tilespmem:s20+$0x40] =	vst v6;
	v6 =	vmul.f32 v12, v0  }
0x15f: {  	v35 =	vld.idx.msk [tilespmem:v3+s16+$0x0], $0xffff;
	[tilespmem:s20+$0x50] =	vst v7;
	v7 =	vmul.f32 v23, v19  }
0x160: {  	[tilespmem:s20+$0x60] =	vst v6;
	v6 =	vld [tilespmem:s8+$0xFFFFFFF0]  }
0x161: {  	[tilespmem:s20+$0x80] =	vst v7;
	v12 =	vmul.f32 v25, v21;
	v7 =	vld [tilespmem:s8+$0x0]  }
0x162: {  	v21 =	vmul.f32 v31, v9;
	v33 =	vld.idx.msk [tilespmem:v5+s16+$0x0], $0xffff  }
0x163: {  	v19 =	vmul.f32 v38, v30;
	v37 =	vld.idx.msk [tilespmem:v2+s16+$0x0], $0xffff;
	[tilespmem:s20+$0xA0] =	vst v12  }
0x164: {  	v20 =	vmul.f32 v36, v10;
	[tilespmem:s7+$0xFFFFFF10] =	vst v21;
	v34 =	vld.idx.msk [tilespmem:v4+s16+$0x0], $0xffff  }
0x165: {  	v12 =	vld [tilespmem:s8+$0x20];
	[tilespmem:s7+$0xFFFFFFF0] =	vst v19;
	v19 =	vmul.f32 v32, v8  }
0x166: {  	v17 =	vmul.f32 v17, v18;
	[tilespmem:s7+$0xFFFFFF00] =	vst v20;
	v58 =	vld.idx.msk [tilespmem:v27+s18+$0x0], $0xffff  }
0x167: {  	v20 =	vld.idx.msk [tilespmem:v26+s21+$0x0], $0xffff;
	[tilespmem:s7+$0xFFFFFF20] =	vst v19;
	v19 =	vmul.f32 v35, v11  }
0x168: {  	[tilespmem:s20+$0xB0] =	vst v17;
	v23 =	vld.idx.msk [tilespmem:v29+s18+$0x0], $0xffff;
	v22 =	vmul.f32 v33, v6  }
0x169: {  	v15 =	vld.idx.msk [tilespmem:v15+s22+$0x0], $0xffff;
	[tilespmem:s7+$0xFFFFFF50] =	vst v19;
	v21 =	vmul.f32 v34, v7  }
0x16a: {  	v59 =	vld.idx.msk [tilespmem:v28+s18+$0x0], $0xffff;
	[tilespmem:s7+$0xFFFFFF30] =	vst v22;
	v22 =	vmul.f32 v37, v12  }
0x16b: {  	v17 =	vmul.f32 v58, v9;
	v60 =	vld.idx.msk [tilespmem:v5+s18+$0x0], $0xffff;
	[tilespmem:s7+$0xFFFFFF40] =	vst v21  }
0x16c: {  	v18 =	vld.idx.msk [tilespmem:v3+s18+$0x0], $0xffff;
	v19 =	vmul.f32 v20, v30;
	[tilespmem:s7+$0xFFFFFF60] =	vst v22  }
0x16d: {  	v20 =	vmul.f32 v23, v10;
	[tilespmem:s7+$0xFFFFFF90] =	vst v17;
	v21 =	vld.idx.msk [tilespmem:v4+s18+$0x0], $0xffff  }
0x16e: {  	v22 =	vld.idx.msk [tilespmem:v2+s18+$0x0], $0xffff;
	[tilespmem:s7+$0x70] =	vst v19  }
0x16f: {  	[tilespmem:s7+$0xFFFFFF80] =	vst v20;
	v19 =	vmul.f32 v59, v8;
	v20 =	vld.idx.msk [tilespmem:v26+s22+$0x0], $0xffff  }
0x170: {  	v61 =	vld.idx.msk [tilespmem:v27+s21+$0x0], $0xffff;
	v17 =	vmul.f32 v60, v6  }
0x171: {  	v15 =	vmul.f32 v15, v16;
	v23 =	vld.idx.msk [tilespmem:v29+s21+$0x0], $0xffff;
	[tilespmem:s7+$0xFFFFFFA0] =	vst v19  }
0x172: {  	v19 =	vmul.f32 v21, v7;
	v21 =	vld.idx.msk [tilespmem:v28+s21+$0x0], $0xffff;
	[tilespmem:s7+$0xFFFFFFB0] =	vst v17  }
0x173: {  	[tilespmem:s20+$0xC0] =	vst v15;
	v17 =	vmul.f32 v18, v11;
	v62 =	vld.idx.msk [tilespmem:v5+s21+$0x0], $0xffff  }
0x174: {  	v18 =	vmul.f32 v22, v12;
	v16 =	vmul.f32 v20, v30;
	v20 =	vld.idx.msk [tilespmem:v13+s22+$0x0], $0xffff;
	[tilespmem:s7+$0xFFFFFFC0] =	vst v19  }
0x175: {  	v15 =	vmul.f32 v61, v9;
	[tilespmem:s7+$0xFFFFFFD0] =	vst v17;
	v22 =	vld.idx.msk [tilespmem:v4+s21+$0x0], $0xffff  }
0x176: {  	[tilespmem:s7+$0xFFFFFFE0] =	vst v18;
	v63 =	vld.idx.msk [tilespmem:v3+s21+$0x0], $0xffff  }
0x177: {  	v17 =	vmul.f32 v23, v10;
	[tilespmem:s7+$0x10] =	vst v15;
	v18 =	vld.idx.msk [tilespmem:v2+s21+$0x0], $0xffff  }
0x178: {  	v19 =	vld.idx.msk [tilespmem:v14+s22+$0x0], $0xffff;
	[tilespmem:s7+$0xF0] =	vst v16;
	v14 =	vmul.f32 v21, v8  }
0x179: {  	[tilespmem:s7+$0x0] =	vst v17;
	v17 =	vld.idx.msk [tilespmem:v27+s22+$0x0], $0xffff;
	v21 =	vmul.f32 v62, v6  }
0x17a: {  	v16 =	vld.idx.msk [tilespmem:v29+s22+$0x0], $0xffff;
	[tilespmem:s7+$0x20] =	vst v14;
	v13 =	vmul.f32 v22, v7  }
0x17b: {  	s19 =	sor.u32 $0x1000, s19;
	s11 =	simm.s32 $0x8;
	s13 =	simm.s32 $0x140;
	v15 =	vld.idx.msk [tilespmem:v28+s22+$0x0], $0xffff;
	[tilespmem:s7+$0x30] =	vst v21;
	v14 =	vmul.f32 v63, v11  }
.LBB2_5:
0x17c: {  	v21 =	vld [tilespmem:s13+$0x30];
	s11 =	sadd.s32 $0x8, s11;
	[tilespmem:s7+$0x40] =	vst v13;
	v18 =	vmul.f32 v18, v12  }
0x17d: {  	v19 =	vmul.f32 v19, v1;
	v1 =	vmov v11;
	v13 =	vld [tilespmem:s13+$0xFFFFFFD0];
	p0 =	slt.u32 s11, $0xF8;
	[tilespmem:s7+$0x50] =	vst v14  }
0x17e: {  	v11 =	vmul.f32 v20, v0;
	v0 =	vmov v12;
	v14 =	vld [tilespmem:s13+$0xFFFFFFE0];
	[tilespmem:s7+$0x60] =	vst v18  }
0x17f: {  	v10 =	vmul.f32 v16, v10;
	v18 =	vld [tilespmem:s13+$0xFFFFFFF0];
	[tilespmem:s20+$0xD0] =	vst v19  }
0x180: {  	v9 =	vmul.f32 v17, v9;
	v19 =	vld [tilespmem:s13+$0x0];
	[tilespmem:s20+$0xE0] =	vst v11;
	s20 =	smov.u32 s7  }
0x181: {  	v8 =	vmul.f32 v15, v8;
	v17 =	vld [tilespmem:s13+$0x10];
	[tilespmem:s7+$0x80] =	vst v10  }
0x182: {  	v15 =	vld [tilespmem:s13+$0x20];
	[tilespmem:s7+$0x90] =	vst v9  }
0x183: {  	v16 =	vld [tilespmem:s13+$0xFFFFFFC0];
	[tilespmem:s7+$0xA0] =	vst v8  }
0x184: {  	s8 =	sadd.s32 $0x80, s8;
	v8 =	vld.idx.msk [tilespmem:v21+s16+$0x0], $0xffff  }
0x185: {  	v20 =	vld [tilespmem:s8+$0x30]  }
0x186: {  	v12 =	vld.idx.msk [tilespmem:v13+s16+$0x0], $0xffff  }
0x187: {  	v22 =	vld.idx.msk [tilespmem:v14+s16+$0x0], $0xffff  }
0x188: {  	v23 =	vld.idx.msk [tilespmem:v18+s16+$0x0], $0xffff  }
0x189: {  	v24 =	vld.idx.msk [tilespmem:v19+s16+$0x0], $0xffff  }
0x18a: {  	v25 =	vld.idx.msk [tilespmem:v17+s16+$0x0], $0xffff;
	v8 =	vmul.f32 v8, v20  }
0x18b: {  	s7 =	sadd.s32 $0x200, s7;
	v11 =	vld.idx.msk [tilespmem:v16+s16+$0x0], $0xffff  }
0x18c: {  	v26 =	vld.idx.msk [tilespmem:v15+s16+$0x0], $0xffff;
	[tilespmem:s7+$0xFFFFFF70] =	vst v8  }
0x18d: {  	v27 =	vld.idx.msk [tilespmem:v21+s18+$0x0], $0xffff  }
0x18e: {  	v10 =	vld [tilespmem:s8+$0xFFFFFFC0]  }
0x18f: {  	v9 =	vld [tilespmem:s8+$0xFFFFFFD0]  }
0x190: {  	v8 =	vld [tilespmem:s8+$0xFFFFFFE0]  }
0x191: {  	v28 =	vld [tilespmem:s8+$0xFFFFFFF0]  }
0x192: {  	v29 =	vld [tilespmem:s8+$0x0]  }
0x193: {  	v27 =	vmul.f32 v27, v20;
	v30 =	vmul.f32 v11, v10;
	v11 =	vld [tilespmem:s8+$0x10]  }
0x194: {  	v31 =	vmul.f32 v12, v9;
	v12 =	vld [tilespmem:s8+$0x20]  }
0x195: {  	v22 =	vmul.f32 v22, v8;
	[tilespmem:s7+$0xFFFFFFF0] =	vst v27;
	v27 =	vld.idx.msk [tilespmem:v5+s22+$0x0], $0xffff;
	v5 =	vmov v18  }
0x196: {  	[tilespmem:s7+$0xFFFFFF00] =	vst v30;
	v18 =	vmul.f32 v23, v28;
	v23 =	vld.idx.msk [tilespmem:v21+s21+$0x0], $0xffff  }
0x197: {  	v30 =	vld.idx.msk [tilespmem:v16+s18+$0x0], $0xffff;
	[tilespmem:s7+$0xFFFFFF10] =	vst v31;
	v24 =	vmul.f32 v24, v29  }
0x198: {  	v31 =	vld.idx.msk [tilespmem:v13+s18+$0x0], $0xffff;
	[tilespmem:s7+$0xFFFFFF20] =	vst v22;
	v22 =	vmul.f32 v25, v11  }
0x199: {  	v25 =	vld.idx.msk [tilespmem:v14+s18+$0x0], $0xffff;
	[tilespmem:s7+$0xFFFFFF30] =	vst v18;
	v18 =	vmul.f32 v26, v12  }
0x19a: {  	v26 =	vld.idx.msk [tilespmem:v5+s18+$0x0], $0xffff;
	[tilespmem:s7+$0xFFFFFF40] =	vst v24  }
0x19b: {  	v24 =	vld.idx.msk [tilespmem:v19+s18+$0x0], $0xffff;
	[tilespmem:s7+$0xFFFFFF50] =	vst v22;
	v22 =	vmul.f32 v27, v6;
	v6 =	vmov v28  }
0x19c: {  	v27 =	vld.idx.msk [tilespmem:v17+s18+$0x0], $0xffff;
	[tilespmem:s7+$0xFFFFFF60] =	vst v18;
	v18 =	vmul.f32 v23, v20  }
0x19d: {  	v23 =	vmul.f32 v30, v10;
	v28 =	vld.idx.msk [tilespmem:v15+s18+$0x0], $0xffff;
	[tilespmem:s20+$0xB0] =	vst v22  }
0x19e: {  	v22 =	vmul.f32 v31, v9;
	[tilespmem:s7+$0x70] =	vst v18;
	v18 =	vld.idx.msk [tilespmem:v4+s22+$0x0], $0xffff;
	v4 =	vmov v19  }
0x19f: {  	v19 =	vmul.f32 v25, v8;
	[tilespmem:s7+$0xFFFFFF80] =	vst v23;
	v21 =	vld.idx.msk [tilespmem:v21+s22+$0x0], $0xffff  }
0x1a0: {  	v23 =	vld.idx.msk [tilespmem:v16+s21+$0x0], $0xffff;
	[tilespmem:s7+$0xFFFFFF90] =	vst v22;
	v22 =	vmul.f32 v26, v6  }
0x1a1: {  	v25 =	vld.idx.msk [tilespmem:v13+s21+$0x0], $0xffff;
	[tilespmem:s7+$0xFFFFFFA0] =	vst v19;
	v19 =	vmul.f32 v24, v29  }
0x1a2: {  	v24 =	vld.idx.msk [tilespmem:v14+s21+$0x0], $0xffff;
	[tilespmem:s7+$0xFFFFFFB0] =	vst v22;
	v22 =	vmul.f32 v27, v11  }
0x1a3: {  	v26 =	vld.idx.msk [tilespmem:v5+s21+$0x0], $0xffff;
	[tilespmem:s7+$0xFFFFFFC0] =	vst v19;
	v19 =	vmul.f32 v28, v12  }
0x1a4: {  	v27 =	vld.idx.msk [tilespmem:v4+s21+$0x0], $0xffff;
	[tilespmem:s7+$0xFFFFFFD0] =	vst v22;
	v22 =	vmul.f32 v18, v7;
	v7 =	vmov v29  }
0x1a5: {  	v28 =	vld.idx.msk [tilespmem:v17+s21+$0x0], $0xffff;
	[tilespmem:s7+$0xFFFFFFE0] =	vst v19;
	v19 =	vmul.f32 v21, v20  }
0x1a6: {  	v20 =	vmul.f32 v23, v10;
	v18 =	vld.idx.msk [tilespmem:v15+s21+$0x0], $0xffff;
	[tilespmem:s20+$0xC0] =	vst v22  }
.Ltmp3:
0x1a7: {  	v21 =	vmul.f32 v25, v9;
	[tilespmem:s7+$0xF0] =	vst v19;
	v19 =	vld.idx.msk [tilespmem:v3+s22+$0x0], $0xffff;
	v3 =	vmov v17;
	(pc) =	sbr.rel @p0 .LBB2_5-.Ltmp3, $4  }
0x1a8: {  	v22 =	vmul.f32 v24, v8;
	[tilespmem:s7+$0x0] =	vst v20;
	v20 =	vld.idx.msk [tilespmem:v2+s22+$0x0], $0xffff;
	v2 =	vmov v15  }
0x1a9: {  	v16 =	vld.idx.msk [tilespmem:v16+s22+$0x0], $0xffff;
	[tilespmem:s7+$0x10] =	vst v21;
	v21 =	vmul.f32 v26, v6  }
0x1aa: {  	v17 =	vld.idx.msk [tilespmem:v13+s22+$0x0], $0xffff;
	[tilespmem:s7+$0x20] =	vst v22;
	v13 =	vmul.f32 v27, v7  }
0x1ab: {  	s13 =	sadd.s32 $0x80, s13;
	v15 =	vld.idx.msk [tilespmem:v14+s22+$0x0], $0xffff;
	[tilespmem:s7+$0x30] =	vst v21;
	v14 =	vmul.f32 v28, v11  }
0x1ac: {  	_ =	sdelay $0x2  }
0x1ad: {  	[tilespmem:s7+$0x40] =	vst v13;
	v57 =	vmul.f32 v18, v12  }
0x1ae: {  	v1 =	vmul.f32 v19, v1;
	v5 =	vld.idx.msk [tilespmem:v5+s22+$0x0], $0xffff;
	[tilespmem:s7+$0x50] =	vst v14  }
0x1af: {  	v0 =	vmul.f32 v20, v0;
	v4 =	vld.idx.msk [tilespmem:v4+s22+$0x0], $0xffff;
	[tilespmem:s7+$0x60] =	vst v57  }
0x1b0: {  	v10 =	vmul.f32 v16, v10;
	[tilespmem:s20+$0xD0] =	vst v1;
	v58 =	vld.idx.msk [tilespmem:v3+s22+$0x0], $0xffff  }
0x1b1: {  	v59 =	vmul.f32 v17, v9;
	[tilespmem:s20+$0xE0] =	vst v0;
	v60 =	vld.idx.msk [tilespmem:v2+s22+$0x0], $0xffff  }
0x1b2: {  	[tilespmem:s7+$0x80] =	vst v10;
	v61 =	vmul.f32 v15, v8  }
0x1b3: {  	[tilespmem:s7+$0x90] =	vst v59;
	v62 =	vmul.f32 v5, v6  }
0x1b4: {  	[tilespmem:s7+$0xA0] =	vst v61;
	v63 =	vmul.f32 v4, v7  }
0x1b5: {  	[tilespmem:s7+$0xB0] =	vst v62;
	v1 =	vmul.f32 v58, v11  }
0x1b6: {  	[tilespmem:s7+$0xC0] =	vst v63;
	v0 =	vmul.f32 v60, v12  }
0x1b7: {  	[tilespmem:s7+$0xD0] =	vst v1  }
0x1b8: {  	s8 =	simm.s32 $0xE000;
	s20 =	sadd.s32 s19, s30;
	[tilespmem:s7+$0xE0] =	vst v0  }
0x1b9: {  	[hbm4b:s20+s2] =	stream.strided.scatter [tilespmem:s8], [sflag:$0x5], $0x4000, s6, s2, $0x38;
	[tilespmem:$0x12000] =	vst v63  }
0x1ba: {  	_ =	swait.ge [sflag:s4], $0x1000  }
0x1bb: {  	[sflag:s4] =	ssyncset.done $0x0  }
0x1bc: {  	[sflag:s4] =	ssyncadd.s32 $0xFFFFF000  }
0x1bd: {  	_ =	swait.ge [sflag:s4], $0x1000  }
0x1be: {  	[sflag:s4] =	ssyncset.done $0x0  }
0x1bf: {  	[sflag:s4] =	ssyncadd.s32 $0xFFFFF000  }
0x1c0: {  	_ =	swait.ge [sflag:s4], $0x1000  }
.Ltmp4:
0x1c1: {  	[sflag:s4] =	ssyncset.done $0x0;
	(pc) =	sbr.rel @p1 .LBB2_8-.Ltmp4, $4  }
0x1c2: {  	[sflag:s4] =	ssyncadd.s32 $0xFFFFF000  }
0x1c3: {  	_ =	swait.ge [sflag:s4], $0x1000  }
0x1c4: {  	[sflag:s4] =	ssyncset.done $0x0  }
0x1c5: {  	[sflag:s4] =	ssyncadd.s32 $0xFFFFF000  }
0x1c6: {  	s7 =	sadd.s32 s17, s29  }
0x1c7: {  	s7 =	sshll.u32 s7, $0x9  }
0x1c8: {  	s8 =	rddreg [dreg:$0xa];
	s7 =	sand.u32 $0x7FF000, s7  }
0x1c9: {  	s17 =	rddreg [dreg:$0xd];
	s8 =	sadd.s32 s7, s8  }
0x1ca: {  	[tilespmem:s16], [sflag:$0x2] =	stream.strided.gather [hbm4b:s8+s3], $0x1000, s6, s3, $0x38;
	[tilespmem:$0x12000] =	vst v63  }
0x1cb: {  	s8 =	sadd.s32 s7, s17  }
0x1cc: {  	[tilespmem:s18], [sflag:$0x2] =	stream.strided.gather [hbm4b:s8+s3], $0x1000, s6, s3, $0x38;
	[tilespmem:$0x12000] =	vst v63  }
.Ltmp5:
0x1cd: {  	s19 =	rddreg [dreg:$0xf];
	(pc) =	sbr.rel .LBB2_2-.Ltmp5, $4  }
0x1ce: {  	s20 =	rddreg [dreg:$0x10];
	s8 =	sadd.s32 s7, s19  }
0x1cf: {  	[tilespmem:s21], [sflag:$0x2] =	stream.strided.gather [hbm4b:s8+s3], $0x1000, s6, s3, $0x38;
	[tilespmem:$0x12000] =	vst v63  }
0x1d0: {  	s14 =	sadd.s32 $0x1, s14;
	s7 =	sadd.s32 s7, s20  }
0x1d1: {  	[tilespmem:s22], [sflag:$0x2] =	stream.strided.gather [hbm4b:s7+s3], $0x1000, s6, s3, $0x38;
	[tilespmem:$0x12000] =	vst v63  }
.LBB2_9:
0x1d2: {  	_ =	sfence.sel $0x180000  }
0x1d3: {  	[bflag:$0x0] =	sbarrier.arrive $0xFFFF  }
0x1d4: {  	_ =	strace $0x90000047  }
0x1d5: {  	s0 =	stileid.u32;
	[bflag:$0x2] =	sbarrier.arrive $0xFFFF  }
0x1d6: {  	p0 =	sne.s32 s0, $0x0;
	s0 =	rddreg [dreg:$0x4]  }
0x1d7: {  	s0 =	sadd.s32 @!p0 $0x100000, s0  }
0x1d8: {  	[sflag:s0] =	ssyncadd.tile.s32 @!p0 $0x1;
	_ =	shalt  }
.Lfunc_end2:
_tile_overlayer_lowered:
.L_overlay_start_2:
0x1d9: {  	(tag) =	ssettag $0x2  }
0x1da: {  	s0 =	rddreg [dreg:$0x0];
	s2 =	stileid.u32  }
0x1db: {  	s1 =	rddreg [dreg:$0x1];
	p0 =	sne.s32 s2, $0x0  }
0x1dc: {  	s3 =	rddreg [dreg:$0x2];
	[bflag:$0x3] =	sbarrier.arrive $0xFFFF;
	s2 =	simm.s32 @!p0 $0x1C06  }
0x1dd: {  	[timem:s3], [sflag:s2] =	dma.local @!p0 [hbm:s0], s1  }
0x1de: {  	s0 =	simm.s32 @!p0 $0x6  }
0x1df: {  	_ =	swait.ge @!p0 [sflag:s0], s1  }
0x1e0: {  	s1 =	ssub.s32 @!p0 $0x0, s1;
	[sflag:s0] =	ssyncset.done @!p0 $0x0  }
0x1e1: {  	[sflag:s0] =	ssyncadd.s32 @!p0 s1  }
0x1e2: {  	[bflag:$0x3] =	sbarrier.arrive $0xFFFF  }
0x1e3: {  	_ =	shalt  }

</sc_bundles>
